<compile_context>
chip_gen: v7x
topology: tpu7x:2x2x1
jax: 0.10.2.dev20260603
libtpu: 0.0.44.dev20260713+nightly
codegen_flags: <defaults>
</compile_context>

<pallas_src>
import functools
import math

import jax
import jax.numpy as jnp
from jax import lax
from jax.experimental import pallas as pl
from jax.experimental.pallas import tpu as pltpu
from jax.experimental.pallas import tpu_sc as plsc

N = 10000
E = 320000
IN = 128
HID = 512
SQD = 4.0

NUM_TILES = 16
CHUNK = 128
CHUNKS_PER_TILE = 158
E_TILE = CHUNK * CHUNKS_PER_TILE
E_PAD = E_TILE * NUM_TILES
IDX_LEN = E_PAD + CHUNK
ACC_ROWS = 10112
ZROWS = ACC_ROWS // NUM_TILES
WB_ROWS = ZROWS

_ROW_BLOCK = 2000


def _pre_body(feat_ref, wq_ref, wk4_ref, out_ref):
    x = feat_ref[...]
    q = jnp.dot(x, wq_ref[...], preferred_element_type=jnp.float32)
    k4 = jnp.dot(x, wk4_ref[...], preferred_element_type=jnp.float32)
    s = jnp.exp(k4)
    out_ref[0, ...] = q * s
    out_ref[1, ...] = s


def _pre(feat, wqT, wk4T):
    B = _ROW_BLOCK
    return pl.pallas_call(
        _pre_body,
        grid=(N // B,),
        in_specs=[
            pl.BlockSpec((B, IN), lambda i: (i, 0)),
            pl.BlockSpec((IN, IN), lambda i: (0, 0)),
            pl.BlockSpec((IN, IN), lambda i: (0, 0)),
        ],
        out_specs=pl.BlockSpec((2, B, IN), lambda i: (0, i, 0)),
        out_shape=jax.ShapeDtypeStruct((2, N, IN), jnp.float32),
    )(feat, wqT, wk4T)


@functools.partial(
    pl.kernel,
    out_type=jax.ShapeDtypeStruct((2, ACC_ROWS, IN), jnp.float32),
    mesh=plsc.VectorSubcoreMesh(core_axis_name="c", subcore_axis_name="s"),
    scratch_types=[
        pltpu.VMEM((CHUNK,), jnp.int32),
        pltpu.VMEM((CHUNK,), jnp.int32),
        pltpu.VMEM((CHUNK,), jnp.int32),
        pltpu.VMEM((CHUNK,), jnp.int32),
        pltpu.VMEM((CHUNK,), jnp.int32),
        pltpu.VMEM((CHUNK,), jnp.int32),
        pltpu.VMEM((CHUNK, IN), jnp.float32),
        pltpu.VMEM((CHUNK, IN), jnp.float32),
        pltpu.VMEM_SHARED((ACC_ROWS, IN), jnp.float32),
        pltpu.SemaphoreType.DMA,
        pltpu.SemaphoreType.DMA,
        pltpu.SemaphoreType.DMA,
        pltpu.SemaphoreType.DMA,
        pltpu.SemaphoreType.DMA,
        pltpu.SemaphoreType.DMA,
        pltpu.SemaphoreType.DMA,
    ],
)
def _edge(t2_ref, src2_ref, dst_ref, zeros_ref, out_ref,
          idx_s0, idx_d0, idx_s1, idx_d1, idx_s2, idx_d2,
          rowsA, rowsB, acc,
          isem0, isem1, isem2, gsemA, gsemB, ssemA, ssemB):
    cc = lax.axis_index("c")
    s = lax.axis_index("s")

    pltpu.sync_copy(zeros_ref, acc.at[pl.ds(s * ZROWS, ZROWS)])
    plsc.subcore_barrier()

    ebase = s * E_TILE

    idx_sets = [(idx_s0, idx_d0, isem0), (idx_s1, idx_d1, isem1),
                (idx_s2, idx_d2, isem2)]
    row_sets = [(rowsA, gsemA, ssemA), (rowsB, gsemB, ssemB)]

    def prefetch_idx(e0, p):
        i_s, i_d, sem = idx_sets[p]
        pltpu.async_copy(src2_ref.at[cc, pl.ds(e0, CHUNK)], i_s, sem)
        pltpu.async_copy(dst_ref.at[pl.ds(e0, CHUNK)], i_d, sem)

    def wait_idx(e0, p):
        i_s, i_d, sem = idx_sets[p]
        pltpu.make_async_copy(src2_ref.at[cc, pl.ds(e0, CHUNK)], i_s, sem).wait()
        pltpu.make_async_copy(dst_ref.at[pl.ds(e0, CHUNK)], i_d, sem).wait()

    def start_gather(p, rX, gX):
        pltpu.async_copy(t2_ref.at[idx_sets[p][0]], rX, gX)

    def wait_gather(p, rX, gX):
        pltpu.make_async_copy(t2_ref.at[idx_sets[p][0]], rX, gX).wait()

    def start_scatter(rY, p, sY):
        pltpu.async_copy(rY, acc.at[idx_sets[p][1]], sY, add=True)

    def wait_scatter(rX, p, sX):
        pltpu.make_async_copy(rX, acc.at[idx_sets[p][1]], sX).wait()

    pltpu.sync_copy(src2_ref.at[cc, pl.ds(ebase, CHUNK)], idx_s0)
    pltpu.sync_copy(dst_ref.at[pl.ds(ebase, CHUNK)], idx_d0)
    start_gather(0, rowsA, gsemA)
    pltpu.sync_copy(src2_ref.at[cc, pl.ds(ebase + CHUNK, CHUNK)], idx_s1)
    pltpu.sync_copy(dst_ref.at[pl.ds(ebase + CHUNK, CHUNK)], idx_d1)
    prefetch_idx(ebase + 2 * CHUNK, 2)
    start_gather(1, rowsB, gsemB)
    wait_gather(0, rowsA, gsemA)
    start_scatter(rowsA, 0, ssemA)

    def six(j, carry):
        for m in range(6):
            c = m + 2
            e0 = ebase + (6 * j + c) * CHUNK
            rX, gX, sX = row_sets[c % 2]
            rY, gY, sY = row_sets[1 - c % 2]
            wait_scatter(rX, (c - 2) % 3, sX)
            prefetch_idx(e0 + CHUNK, (c + 1) % 3)
            wait_idx(e0, c % 3)
            start_gather(c % 3, rX, gX)
            wait_gather((c - 1) % 3, rY, gY)
            start_scatter(rY, (c - 1) % 3, sY)
        return carry

    lax.fori_loop(0, (CHUNKS_PER_TILE - 2) // 6, six, 0)

    last = CHUNKS_PER_TILE - 1
    wait_idx(ebase + (last + 1) * CHUNK, (last + 1) % 3)
    wait_gather(last % 3, rowsB, gsemB)
    start_scatter(rowsB, last % 3, ssemB)
    wait_scatter(rowsA, (last - 1) % 3, ssemA)
    wait_scatter(rowsB, last % 3, ssemB)
    plsc.subcore_barrier()

    pltpu.sync_copy(acc.at[pl.ds(s * WB_ROWS, WB_ROWS)],
                    out_ref.at[cc, pl.ds(s * WB_ROWS, WB_ROWS)])


def _post_body(acc_ref, feat_ref, g_ref, b_ref, w1_ref, b1_ref, al_ref,
               w2_ref, b2_ref, out_ref):
    num = acc_ref[0, ...]
    den = acc_ref[1, ...]
    g = g_ref[...]
    b = b_ref[...]
    safe = jnp.where(den > 0.0, den, 1.0)
    rst0 = jnp.where(den > 0.0, num / safe, 0.0) + feat_ref[...]
    mu = jnp.mean(rst0, axis=-1, keepdims=True)
    var = jnp.mean((rst0 - mu) ** 2, axis=-1, keepdims=True)
    rst = (rst0 - mu) * lax.rsqrt(var + 1e-5) * g + b
    h = jnp.dot(rst, w1_ref[...], preferred_element_type=jnp.float32) + b1_ref[...]
    h = jnp.where(h >= 0.0, h, al_ref[...] * h)
    z = rst + jnp.dot(h, w2_ref[...], preferred_element_type=jnp.float32) + b2_ref[...]
    mu2 = jnp.mean(z, axis=-1, keepdims=True)
    var2 = jnp.mean((z - mu2) ** 2, axis=-1, keepdims=True)
    out_ref[...] = (z - mu2) * lax.rsqrt(var2 + 1e-5) * g + b


def _post(acc, feat, ln_g, ln_b, w1T, b1, alpha, w2T, b2):
    B = _ROW_BLOCK
    return pl.pallas_call(
        _post_body,
        grid=(N // B,),
        in_specs=[
            pl.BlockSpec((2, B, IN), lambda i: (0, i, 0)),
            pl.BlockSpec((B, IN), lambda i: (i, 0)),
            pl.BlockSpec((1, IN), lambda i: (0, 0)),
            pl.BlockSpec((1, IN), lambda i: (0, 0)),
            pl.BlockSpec((IN, HID), lambda i: (0, 0)),
            pl.BlockSpec((1, HID), lambda i: (0, 0)),
            pl.BlockSpec((1, HID), lambda i: (0, 0)),
            pl.BlockSpec((HID, IN), lambda i: (0, 0)),
            pl.BlockSpec((1, IN), lambda i: (0, 0)),
        ],
        out_specs=pl.BlockSpec((B, IN), lambda i: (i, 0)),
        out_shape=jax.ShapeDtypeStruct((N, IN), jnp.float32),
    )(acc, feat, ln_g.reshape(1, IN), ln_b.reshape(1, IN), w1T,
      b1.reshape(1, HID), alpha.reshape(1, HID), w2T, b2.reshape(1, IN))


def kernel(feat, edge_index, Wq, Wk, Wv, ln_g, ln_b, W1, b1, alpha, W2, b2):
    src = edge_index[0]
    dst = edge_index[1]
    pad = IDX_LEN - E
    src_p = jnp.concatenate([src, jnp.zeros((pad,), jnp.int32)])
    src2 = jnp.stack([src_p, src_p + N])
    dst_p = jnp.concatenate([dst, jnp.full((pad,), N, jnp.int32)])
    zeros = jnp.zeros((ZROWS, IN), jnp.float32)

    t = _pre(feat, Wq.T, (SQD * Wk).T)
    acc = _edge(t.reshape(2 * N, IN), src2, dst_p, zeros)
    return _post(acc, feat, ln_g, ln_b, W1.T, b1, alpha, W2.T, b2)

# --- scband reference (transcript-rebuilt; emitter-appended) ---
"""Pipeline reference for scband-gat-15358803051066 (READ-ONLY COPY).

The authoritative reference and input builder live on the scoring server;
editing this copy changes nothing except your own understanding.
"""

import jax, jax.numpy as jnp
import numpy as np
import math

N = 10000
E = 320000
IN = 128
H = 8
D = 16
HID = 4 * IN


def setup_inputs(seed: int = 0) -> dict:
    key = jax.random.key(seed)
    ks = [jax.random.fold_in(key, i) for i in range(8)]
    feat = jax.random.normal(ks[0], (N, IN), dtype=jnp.float32)
    edge_index = jax.random.randint(ks[1], (2, E), 0, N, dtype=jnp.int32)
    s_in = 1.0 / math.sqrt(IN)
    s_hid = 1.0 / math.sqrt(HID)
    Wq = jax.random.normal(ks[2], (H * D, IN), dtype=jnp.float32) * s_in
    Wk = jax.random.normal(ks[3], (H * D, IN), dtype=jnp.float32) * s_in
    Wv = jax.random.normal(ks[4], (H * D, IN), dtype=jnp.float32) * s_in
    ln_g = jnp.ones((IN,), dtype=jnp.float32)
    ln_b = jnp.zeros((IN,), dtype=jnp.float32)
    W1 = jax.random.normal(ks[5], (HID, IN), dtype=jnp.float32) * s_in
    b1 = jnp.zeros((HID,), dtype=jnp.float32)
    alpha = 0.25 * jnp.ones((HID,), dtype=jnp.float32)
    W2 = jax.random.normal(ks[6], (IN, HID), dtype=jnp.float32) * s_hid
    b2 = jnp.zeros((IN,), dtype=jnp.float32)
    return {"feat": feat, "edge_index": edge_index, "Wq": Wq, "Wk": Wk, "Wv": Wv,
            "ln_g": ln_g, "ln_b": ln_b, "W1": W1, "b1": b1, "alpha": alpha, "W2": W2, "b2": b2}


def _layernorm(x, g, b):
    mu = jnp.mean(x, axis=-1, keepdims=True)
    var = jnp.mean((x - mu) ** 2, axis=-1, keepdims=True)
    return (x - mu) / jnp.sqrt(var + 1e-5) * g + b


def reference(feat, edge_index, Wq, Wk, Wv, ln_g, ln_b, W1, b1, alpha, W2, b2):
    n = feat.shape[0]
    src = edge_index[0]
    dst = edge_index[1]
    feat_c = jax.lax.stop_gradient(feat)  # feat.clone().detach()
    q = (feat @ Wq.T).reshape(n, H, D)
    k = (feat_c @ Wk.T).reshape(n, H, D)
    v = (feat_c @ Wv.T).reshape(n, H, D)
    # apply_edges u_add_v('el','er'): e = k[src] + v[dst], scaled by sqrt(out_feats)
    e = math.sqrt(D) * (k[src] + v[dst])  # [E, H, D]
    # edge_softmax over incoming edges per destination node (elementwise over H, D)
    emax = jax.ops.segment_max(e, dst, num_segments=n)
    emax = jax.lax.stop_gradient(emax)  # shift-invariance of softmax
    ee = jnp.exp(e - emax[dst])
    denom = jax.ops.segment_sum(ee, dst, num_segments=n)
    a = ee / denom[dst]
    # update_all u_mul_e('ft','a') + sum: message = q[src] * a, reduced at dst
    m = q[src] * a
    rst = jax.ops.segment_sum(m, dst, num_segments=n)  # [N, H, D]
    rst = rst.reshape(feat.shape) + feat
    # trans=True branch, same LayerNorm applied twice
    rst = _layernorm(rst, ln_g, ln_b)
    h = rst @ W1.T + b1
    h = jnp.where(h >= 0, h, alpha * h)  # PReLU with per-channel alpha
    ffn = h @ W2.T + b2  # ffn_drop = 0.0
    rst = _layernorm(rst + ffn, ln_g, ln_b)
    return rst

if __name__ == "__main__":
    import jax
    _d = setup_inputs()
    print(jax.jit(kernel)(*tuple(_d.values())))

</pallas_src>

<mosaic_0001>
#map = affine_map<(d0, d1) -> (0, 0)>
#map1 = affine_map<(d0, d1) -> (0)>
#map2 = affine_map<(d0, d1) -> (0, 0, 0)>
module attributes {stable_mosaic.version = 14 : i64} {
  func.func @_edge(%arg0: i32, %arg1: i32, %arg2: memref<20000x128xf32, #tpu.memory_space<hbm>>, %arg3: memref<2x323712xi32, #tpu.memory_space<hbm>>, %arg4: memref<323712xi32, #tpu.memory_space<hbm>>, %arg5: memref<632x128xf32, #tpu.memory_space<hbm>>, %arg6: memref<2x10112x128xf32, #tpu.memory_space<hbm>>, %arg7: memref<128xi32, #tpu.memory_space<vmem>>, %arg8: memref<128xi32, #tpu.memory_space<vmem>>, %arg9: memref<128xi32, #tpu.memory_space<vmem>>, %arg10: memref<128xi32, #tpu.memory_space<vmem>>, %arg11: memref<128xi32, #tpu.memory_space<vmem>>, %arg12: memref<128xi32, #tpu.memory_space<vmem>>, %arg13: memref<128x128xf32, #tpu.memory_space<vmem>>, %arg14: memref<128x128xf32, #tpu.memory_space<vmem>>, %arg15: memref<10112x128xf32, #tpu.memory_space<vmem_shared>>, %arg16: memref<!tpu.dma_semaphore, #tpu.memory_space<semaphore_mem>>, %arg17: memref<!tpu.dma_semaphore, #tpu.memory_space<semaphore_mem>>, %arg18: memref<!tpu.dma_semaphore, #tpu.memory_space<semaphore_mem>>, %arg19: memref<!tpu.dma_semaphore, #tpu.memory_space<semaphore_mem>>, %arg20: memref<!tpu.dma_semaphore, #tpu.memory_space<semaphore_mem>>, %arg21: memref<!tpu.dma_semaphore, #tpu.memory_space<semaphore_mem>>, %arg22: memref<!tpu.dma_semaphore, #tpu.memory_space<semaphore_mem>>) attributes {dimension_semantics = [#tpu.dimension_semantics<core_parallel>, #tpu.dimension_semantics<subcore_parallel>], iteration_bounds = array<i64: 2, 16>, scalar_prefetch = 0 : i64, scratch_operands = 16 : i64, tpu.core_type = #tpu.core_type<sc_vector_subcore>, window_params = [{transform_indices = #map}, {transform_indices = #map}, {transform_indices = #map1}, {transform_indices = #map}, {transform_indices = #map2}]} {
    %mul3A = arith.constant 632 : i32
    %mul3A_0 = arith.muli %arg1, %mul3A : i32
    "tpu.region"() ({
      %run_scoped3A = tpu.sem_alloc : memref<!tpu.dma_semaphore, #tpu.memory_space<semaphore_mem>>
      %dma_start3A_54 = arith.constant 0 : i32
      %dma_start3A_55 = tpu.memref_slice %arg15[%mul3A_0, %dma_start3A_54] : memref<10112x128xf32, #tpu.memory_space<vmem_shared>> -> memref<632x128xf32, #tpu.memory_space<vmem_shared>>
      tpu.enqueue_dma source(%arg5 : memref<632x128xf32, #tpu.memory_space<hbm>>) target(%dma_start3A_55 : memref<632x128xf32, #tpu.memory_space<vmem_shared>>) target_semaphore(%run_scoped3A : memref<!tpu.dma_semaphore, #tpu.memory_space<semaphore_mem>>)
      %dma_wait3A_56 = arith.constant 0 : i32
      %dma_wait3A_57 = tpu.memref_slice %arg15[%mul3A_0, %dma_wait3A_56] : memref<10112x128xf32, #tpu.memory_space<vmem_shared>> -> memref<632x128xf32, #tpu.memory_space<vmem_shared>>
      tpu.wait_dma2 semaphore(%run_scoped3A : memref<!tpu.dma_semaphore, #tpu.memory_space<semaphore_mem>>) src(%arg5 : memref<632x128xf32, #tpu.memory_space<hbm>>) dst(%dma_wait3A_57 : memref<632x128xf32, #tpu.memory_space<vmem_shared>>)
      tpu.yield
    }) : () -> ()
    %barrier3A = arith.constant 0 : index
    tpu.barrier barrier_id(%barrier3A)
    %mul3A_1 = arith.constant 20224 : i32
    %mul3A_2 = arith.muli %arg1, %mul3A_1 : i32
    "tpu.region"() ({
      %run_scoped3A = tpu.sem_alloc : memref<!tpu.dma_semaphore, #tpu.memory_space<semaphore_mem>>
      %dma_start3A_54 = tpu.memref_slice %arg3[%arg0, %mul3A_2] : memref<2x323712xi32, #tpu.memory_space<hbm>> -> memref<1x128xi32, #tpu.memory_space<hbm>>
      %dma_start3A_55 = tpu.memref_squeeze %dma_start3A_54 : memref<1x128xi32, #tpu.memory_space<hbm>> -> memref<128xi32, #tpu.memory_space<hbm>>
      %dma_start3A_56 = tpu.memref_slice %arg3[%arg0, %mul3A_2] : memref<2x323712xi32, #tpu.memory_space<hbm>> -> memref<1x128xi32, #tpu.memory_space<hbm>>
      %dma_start3A_57 = tpu.memref_squeeze %dma_start3A_56 : memref<1x128xi32, #tpu.memory_space<hbm>> -> memref<128xi32, #tpu.memory_space<hbm>>
      tpu.enqueue_dma source(%dma_start3A_57 : memref<128xi32, #tpu.memory_space<hbm>>) target(%arg7 : memref<128xi32, #tpu.memory_space<vmem>>) target_semaphore(%run_scoped3A : memref<!tpu.dma_semaphore, #tpu.memory_space<semaphore_mem>>)
      %dma_wait3A_58 = tpu.memref_slice %arg3[%arg0, %mul3A_2] : memref<2x323712xi32, #tpu.memory_space<hbm>> -> memref<1x128xi32, #tpu.memory_space<hbm>>
      %dma_wait3A_59 = tpu.memref_squeeze %dma_wait3A_58 : memref<1x128xi32, #tpu.memory_space<hbm>> -> memref<128xi32, #tpu.memory_space<hbm>>
      %dma_wait3A_60 = tpu.memref_slice %arg3[%arg0, %mul3A_2] : memref<2x323712xi32, #tpu.memory_space<hbm>> -> memref<1x128xi32, #tpu.memory_space<hbm>>
      %dma_wait3A_61 = tpu.memref_squeeze %dma_wait3A_60 : memref<1x128xi32, #tpu.memory_space<hbm>> -> memref<128xi32, #tpu.memory_space<hbm>>
      tpu.wait_dma2 semaphore(%run_scoped3A : memref<!tpu.dma_semaphore, #tpu.memory_space<semaphore_mem>>) src(%dma_wait3A_61 : memref<128xi32, #tpu.memory_space<hbm>>) dst(%arg7 : memref<128xi32, #tpu.memory_space<vmem>>)
      tpu.yield
    }) : () -> ()
    "tpu.region"() ({
      %run_scoped3A = tpu.sem_alloc : memref<!tpu.dma_semaphore, #tpu.memory_space<semaphore_mem>>
      %dma_start3A_54 = tpu.memref_slice %arg4[%mul3A_2] : memref<323712xi32, #tpu.memory_space<hbm>> -> memref<128xi32, #tpu.memory_space<hbm>>
      %dma_start3A_55 = tpu.memref_slice %arg4[%mul3A_2] : memref<323712xi32, #tpu.memory_space<hbm>> -> memref<128xi32, #tpu.memory_space<hbm>>
      tpu.enqueue_dma source(%dma_start3A_55 : memref<128xi32, #tpu.memory_space<hbm>>) target(%arg8 : memref<128xi32, #tpu.memory_space<vmem>>) target_semaphore(%run_scoped3A : memref<!tpu.dma_semaphore, #tpu.memory_space<semaphore_mem>>)
      %dma_wait3A_56 = tpu.memref_slice %arg4[%mul3A_2] : memref<323712xi32, #tpu.memory_space<hbm>> -> memref<128xi32, #tpu.memory_space<hbm>>
      %dma_wait3A_57 = tpu.memref_slice %arg4[%mul3A_2] : memref<323712xi32, #tpu.memory_space<hbm>> -> memref<128xi32, #tpu.memory_space<hbm>>
      tpu.wait_dma2 semaphore(%run_scoped3A : memref<!tpu.dma_semaphore, #tpu.memory_space<semaphore_mem>>) src(%dma_wait3A_57 : memref<128xi32, #tpu.memory_space<hbm>>) dst(%arg8 : memref<128xi32, #tpu.memory_space<vmem>>)
      tpu.yield
    }) : () -> ()
    %dma_start3A = arith.constant 0 : i32
    %dma_start3A_3 = arith.constant 0 : i32
    %dma_start3A_4 = tpu.memref_slice %arg2[%dma_start3A, %dma_start3A_3] : memref<20000x128xf32, #tpu.memory_space<hbm>> -> memref<20000x128xf32, #tpu.memory_space<hbm>>
    tpu.enqueue_indirect_dma source(%dma_start3A_4 : memref<20000x128xf32, #tpu.memory_space<hbm>>) target(%arg13 : memref<128x128xf32, #tpu.memory_space<vmem>>) offsets(%arg7 : memref<128xi32, #tpu.memory_space<vmem>>) semaphore(%arg19 : memref<!tpu.dma_semaphore, #tpu.memory_space<semaphore_mem>>)
    %add3A = arith.constant 128 : i32
    %add3A_5 = arith.addi %mul3A_2, %add3A : i32
    "tpu.region"() ({
      %run_scoped3A = tpu.sem_alloc : memref<!tpu.dma_semaphore, #tpu.memory_space<semaphore_mem>>
      %dma_start3A_54 = tpu.memref_slice %arg3[%arg0, %add3A_5] : memref<2x323712xi32, #tpu.memory_space<hbm>> -> memref<1x128xi32, #tpu.memory_space<hbm>>
      %dma_start3A_55 = tpu.memref_squeeze %dma_start3A_54 : memref<1x128xi32, #tpu.memory_space<hbm>> -> memref<128xi32, #tpu.memory_space<hbm>>
      %dma_start3A_56 = tpu.memref_slice %arg3[%arg0, %add3A_5] : memref<2x323712xi32, #tpu.memory_space<hbm>> -> memref<1x128xi32, #tpu.memory_space<hbm>>
      %dma_start3A_57 = tpu.memref_squeeze %dma_start3A_56 : memref<1x128xi32, #tpu.memory_space<hbm>> -> memref<128xi32, #tpu.memory_space<hbm>>
      tpu.enqueue_dma source(%dma_start3A_57 : memref<128xi32, #tpu.memory_space<hbm>>) target(%arg9 : memref<128xi32, #tpu.memory_space<vmem>>) target_semaphore(%run_scoped3A : memref<!tpu.dma_semaphore, #tpu.memory_space<semaphore_mem>>)
      %dma_wait3A_58 = tpu.memref_slice %arg3[%arg0, %add3A_5] : memref<2x323712xi32, #tpu.memory_space<hbm>> -> memref<1x128xi32, #tpu.memory_space<hbm>>
      %dma_wait3A_59 = tpu.memref_squeeze %dma_wait3A_58 : memref<1x128xi32, #tpu.memory_space<hbm>> -> memref<128xi32, #tpu.memory_space<hbm>>
      %dma_wait3A_60 = tpu.memref_slice %arg3[%arg0, %add3A_5] : memref<2x323712xi32, #tpu.memory_space<hbm>> -> memref<1x128xi32, #tpu.memory_space<hbm>>
      %dma_wait3A_61 = tpu.memref_squeeze %dma_wait3A_60 : memref<1x128xi32, #tpu.memory_space<hbm>> -> memref<128xi32, #tpu.memory_space<hbm>>
      tpu.wait_dma2 semaphore(%run_scoped3A : memref<!tpu.dma_semaphore, #tpu.memory_space<semaphore_mem>>) src(%dma_wait3A_61 : memref<128xi32, #tpu.memory_space<hbm>>) dst(%arg9 : memref<128xi32, #tpu.memory_space<vmem>>)
      tpu.yield
    }) : () -> ()
    %add3A_6 = arith.constant 128 : i32
    %add3A_7 = arith.addi %mul3A_2, %add3A_6 : i32
    "tpu.region"() ({
      %run_scoped3A = tpu.sem_alloc : memref<!tpu.dma_semaphore, #tpu.memory_space<semaphore_mem>>
      %dma_start3A_54 = tpu.memref_slice %arg4[%add3A_7] : memref<323712xi32, #tpu.memory_space<hbm>> -> memref<128xi32, #tpu.memory_space<hbm>>
      %dma_start3A_55 = tpu.memref_slice %arg4[%add3A_7] : memref<323712xi32, #tpu.memory_space<hbm>> -> memref<128xi32, #tpu.memory_space<hbm>>
      tpu.enqueue_dma source(%dma_start3A_55 : memref<128xi32, #tpu.memory_space<hbm>>) target(%arg10 : memref<128xi32, #tpu.memory_space<vmem>>) target_semaphore(%run_scoped3A : memref<!tpu.dma_semaphore, #tpu.memory_space<semaphore_mem>>)
      %dma_wait3A_56 = tpu.memref_slice %arg4[%add3A_7] : memref<323712xi32, #tpu.memory_space<hbm>> -> memref<128xi32, #tpu.memory_space<hbm>>
      %dma_wait3A_57 = tpu.memref_slice %arg4[%add3A_7] : memref<323712xi32, #tpu.memory_space<hbm>> -> memref<128xi32, #tpu.memory_space<hbm>>
      tpu.wait_dma2 semaphore(%run_scoped3A : memref<!tpu.dma_semaphore, #tpu.memory_space<semaphore_mem>>) src(%dma_wait3A_57 : memref<128xi32, #tpu.memory_space<hbm>>) dst(%arg10 : memref<128xi32, #tpu.memory_space<vmem>>)
      tpu.yield
    }) : () -> ()
    %add3A_8 = arith.constant 256 : i32
    %add3A_9 = arith.addi %mul3A_2, %add3A_8 : i32
    %dma_start3A_10 = tpu.memref_slice %arg3[%arg0, %add3A_9] : memref<2x323712xi32, #tpu.memory_space<hbm>> -> memref<1x128xi32, #tpu.memory_space<hbm>>
    %dma_start3A_11 = tpu.memref_squeeze %dma_start3A_10 : memref<1x128xi32, #tpu.memory_space<hbm>> -> memref<128xi32, #tpu.memory_space<hbm>>
    %dma_start3A_12 = tpu.memref_slice %arg3[%arg0, %add3A_9] : memref<2x323712xi32, #tpu.memory_space<hbm>> -> memref<1x128xi32, #tpu.memory_space<hbm>>
    %dma_start3A_13 = tpu.memref_squeeze %dma_start3A_12 : memref<1x128xi32, #tpu.memory_space<hbm>> -> memref<128xi32, #tpu.memory_space<hbm>>
    tpu.enqueue_dma source(%dma_start3A_13 : memref<128xi32, #tpu.memory_space<hbm>>) target(%arg11 : memref<128xi32, #tpu.memory_space<vmem>>) target_semaphore(%arg18 : memref<!tpu.dma_semaphore, #tpu.memory_space<semaphore_mem>>)
    %dma_start3A_14 = tpu.memref_slice %arg4[%add3A_9] : memref<323712xi32, #tpu.memory_space<hbm>> -> memref<128xi32, #tpu.memory_space<hbm>>
    %dma_start3A_15 = tpu.memref_slice %arg4[%add3A_9] : memref<323712xi32, #tpu.memory_space<hbm>> -> memref<128xi32, #tpu.memory_space<hbm>>
    tpu.enqueue_dma source(%dma_start3A_15 : memref<128xi32, #tpu.memory_space<hbm>>) target(%arg12 : memref<128xi32, #tpu.memory_space<vmem>>) target_semaphore(%arg18 : memref<!tpu.dma_semaphore, #tpu.memory_space<semaphore_mem>>)
    %dma_start3A_16 = arith.constant 0 : i32
    %dma_start3A_17 = arith.constant 0 : i32
    %dma_start3A_18 = tpu.memref_slice %arg2[%dma_start3A_16, %dma_start3A_17] : memref<20000x128xf32, #tpu.memory_space<hbm>> -> memref<20000x128xf32, #tpu.memory_space<hbm>>
    tpu.enqueue_indirect_dma source(%dma_start3A_18 : memref<20000x128xf32, #tpu.memory_space<hbm>>) target(%arg14 : memref<128x128xf32, #tpu.memory_space<vmem>>) offsets(%arg9 : memref<128xi32, #tpu.memory_space<vmem>>) semaphore(%arg20 : memref<!tpu.dma_semaphore, #tpu.memory_space<semaphore_mem>>)
    %dma_wait3A = arith.constant 0 : i32
    %dma_wait3A_19 = arith.constant 0 : i32
    %dma_wait3A_20 = tpu.memref_slice %arg2[%dma_wait3A, %dma_wait3A_19] : memref<20000x128xf32, #tpu.memory_space<hbm>> -> memref<20000x128xf32, #tpu.memory_space<hbm>>
    tpu.wait_indirect_dma semaphore(%arg19 : memref<!tpu.dma_semaphore, #tpu.memory_space<semaphore_mem>>) src(%dma_wait3A_20 : memref<20000x128xf32, #tpu.memory_space<hbm>>) dst(%arg13 : memref<128x128xf32, #tpu.memory_space<vmem>>)
    %dma_start3A_21 = arith.constant 0 : i32
    %dma_start3A_22 = arith.constant 0 : i32
    %dma_start3A_23 = tpu.memref_slice %arg15[%dma_start3A_21, %dma_start3A_22] : memref<10112x128xf32, #tpu.memory_space<vmem_shared>> -> memref<10112x128xf32, #tpu.memory_space<vmem_shared>>
    tpu.enqueue_indirect_dma source(%arg13 : memref<128x128xf32, #tpu.memory_space<vmem>>) target(%dma_start3A_23 : memref<10112x128xf32, #tpu.memory_space<vmem_shared>>) offsets(%arg8 : memref<128xi32, #tpu.memory_space<vmem>>) semaphore(%arg21 : memref<!tpu.dma_semaphore, #tpu.memory_space<semaphore_mem>>) {add = true}
    %scan3A = arith.constant 0 : i32
    %scan3A_24 = arith.constant 0 : i32
    %scan3A_25 = arith.constant 26 : i32
    %scan3A_26 = arith.addi %scan3A_24, %scan3A_25 : i32
    %scan3A_27 = arith.constant 1 : i32
    scf.for %scan3A_54 = %scan3A_24 to %scan3A_26 step %scan3A_27  : i32 {
      %mul3A_55 = arith.constant 6 : i32
      %mul3A_56 = arith.muli %mul3A_55, %scan3A_54 : i32
      %add3A_57 = arith.constant 2 : i32
      %add3A_58 = arith.addi %mul3A_56, %add3A_57 : i32
      %mul3A_59 = arith.constant 128 : i32
      %mul3A_60 = arith.muli %add3A_58, %mul3A_59 : i32
      %add3A_61 = arith.addi %mul3A_2, %mul3A_60 : i32
      %dma_wait3A_62 = arith.constant 0 : i32
      %dma_wait3A_63 = arith.constant 0 : i32
      %dma_wait3A_64 = tpu.memref_slice %arg15[%dma_wait3A_62, %dma_wait3A_63] : memref<10112x128xf32, #tpu.memory_space<vmem_shared>> -> memref<10112x128xf32, #tpu.memory_space<vmem_shared>>
      tpu.wait_indirect_dma semaphore(%arg21 : memref<!tpu.dma_semaphore, #tpu.memory_space<semaphore_mem>>) src(%arg13 : memref<128x128xf32, #tpu.memory_space<vmem>>) dst(%dma_wait3A_64 : memref<10112x128xf32, #tpu.memory_space<vmem_shared>>)
      %add3A_65 = arith.constant 128 : i32
      %add3A_66 = arith.addi %add3A_61, %add3A_65 : i32
      %dma_start3A_67 = tpu.memref_slice %arg3[%arg0, %add3A_66] : memref<2x323712xi32, #tpu.memory_space<hbm>> -> memref<1x128xi32, #tpu.memory_space<hbm>>
      %dma_start3A_68 = tpu.memref_squeeze %dma_start3A_67 : memref<1x128xi32, #tpu.memory_space<hbm>> -> memref<128xi32, #tpu.memory_space<hbm>>
      %dma_start3A_69 = tpu.memref_slice %arg3[%arg0, %add3A_66] : memref<2x323712xi32, #tpu.memory_space<hbm>> -> memref<1x128xi32, #tpu.memory_space<hbm>>
      %dma_start3A_70 = tpu.memref_squeeze %dma_start3A_69 : memref<1x128xi32, #tpu.memory_space<hbm>> -> memref<128xi32, #tpu.memory_space<hbm>>
      tpu.enqueue_dma source(%dma_start3A_70 : memref<128xi32, #tpu.memory_space<hbm>>) target(%arg7 : memref<128xi32, #tpu.memory_space<vmem>>) target_semaphore(%arg16 : memref<!tpu.dma_semaphore, #tpu.memory_space<semaphore_mem>>)
      %dma_start3A_71 = tpu.memref_slice %arg4[%add3A_66] : memref<323712xi32, #tpu.memory_space<hbm>> -> memref<128xi32, #tpu.memory_space<hbm>>
      %dma_start3A_72 = tpu.memref_slice %arg4[%add3A_66] : memref<323712xi32, #tpu.memory_space<hbm>> -> memref<128xi32, #tpu.memory_space<hbm>>
      tpu.enqueue_dma source(%dma_start3A_72 : memref<128xi32, #tpu.memory_space<hbm>>) target(%arg8 : memref<128xi32, #tpu.memory_space<vmem>>) target_semaphore(%arg16 : memref<!tpu.dma_semaphore, #tpu.memory_space<semaphore_mem>>)
      %dma_wait3A_73 = tpu.memref_slice %arg3[%arg0, %add3A_61] : memref<2x323712xi32, #tpu.memory_space<hbm>> -> memref<1x128xi32, #tpu.memory_space<hbm>>
      %dma_wait3A_74 = tpu.memref_squeeze %dma_wait3A_73 : memref<1x128xi32, #tpu.memory_space<hbm>> -> memref<128xi32, #tpu.memory_space<hbm>>
      %dma_wait3A_75 = tpu.memref_slice %arg3[%arg0, %add3A_61] : memref<2x323712xi32, #tpu.memory_space<hbm>> -> memref<1x128xi32, #tpu.memory_space<hbm>>
      %dma_wait3A_76 = tpu.memref_squeeze %dma_wait3A_75 : memref<1x128xi32, #tpu.memory_space<hbm>> -> memref<128xi32, #tpu.memory_space<hbm>>
      tpu.wait_dma2 semaphore(%arg18 : memref<!tpu.dma_semaphore, #tpu.memory_space<semaphore_mem>>) src(%dma_wait3A_76 : memref<128xi32, #tpu.memory_space<hbm>>) dst(%arg11 : memref<128xi32, #tpu.memory_space<vmem>>)
      %dma_wait3A_77 = tpu.memref_slice %arg4[%add3A_61] : memref<323712xi32, #tpu.memory_space<hbm>> -> memref<128xi32, #tpu.memory_space<hbm>>
      %dma_wait3A_78 = tpu.memref_slice %arg4[%add3A_61] : memref<323712xi32, #tpu.memory_space<hbm>> -> memref<128xi32, #tpu.memory_space<hbm>>
      tpu.wait_dma2 semaphore(%arg18 : memref<!tpu.dma_semaphore, #tpu.memory_space<semaphore_mem>>) src(%dma_wait3A_78 : memref<128xi32, #tpu.memory_space<hbm>>) dst(%arg12 : memref<128xi32, #tpu.memory_space<vmem>>)
      %dma_start3A_79 = arith.constant 0 : i32
      %dma_start3A_80 = arith.constant 0 : i32
      %dma_start3A_81 = tpu.memref_slice %arg2[%dma_start3A_79, %dma_start3A_80] : memref<20000x128xf32, #tpu.memory_space<hbm>> -> memref<20000x128xf32, #tpu.memory_space<hbm>>
      tpu.enqueue_indirect_dma source(%dma_start3A_81 : memref<20000x128xf32, #tpu.memory_space<hbm>>) target(%arg13 : memref<128x128xf32, #tpu.memory_space<vmem>>) offsets(%arg11 : memref<128xi32, #tpu.memory_space<vmem>>) semaphore(%arg19 : memref<!tpu.dma_semaphore, #tpu.memory_space<semaphore_mem>>)
      %dma_wait3A_82 = arith.constant 0 : i32
      %dma_wait3A_83 = arith.constant 0 : i32
      %dma_wait3A_84 = tpu.memref_slice %arg2[%dma_wait3A_82, %dma_wait3A_83] : memref<20000x128xf32, #tpu.memory_space<hbm>> -> memref<20000x128xf32, #tpu.memory_space<hbm>>
      tpu.wait_indirect_dma semaphore(%arg20 : memref<!tpu.dma_semaphore, #tpu.memory_space<semaphore_mem>>) src(%dma_wait3A_84 : memref<20000x128xf32, #tpu.memory_space<hbm>>) dst(%arg14 : memref<128x128xf32, #tpu.memory_space<vmem>>)
      %dma_start3A_85 = arith.constant 0 : i32
      %dma_start3A_86 = arith.constant 0 : i32
      %dma_start3A_87 = tpu.memref_slice %arg15[%dma_start3A_85, %dma_start3A_86] : memref<10112x128xf32, #tpu.memory_space<vmem_shared>> -> memref<10112x128xf32, #tpu.memory_space<vmem_shared>>
      tpu.enqueue_indirect_dma source(%arg14 : memref<128x128xf32, #tpu.memory_space<vmem>>) target(%dma_start3A_87 : memref<10112x128xf32, #tpu.memory_space<vmem_shared>>) offsets(%arg10 : memref<128xi32, #tpu.memory_space<vmem>>) semaphore(%arg22 : memref<!tpu.dma_semaphore, #tpu.memory_space<semaphore_mem>>) {add = true}
      %mul3A_88 = arith.constant 6 : i32
      %mul3A_89 = arith.muli %mul3A_88, %scan3A_54 : i32
      %add3A_90 = arith.constant 3 : i32
      %add3A_91 = arith.addi %mul3A_89, %add3A_90 : i32
      %mul3A_92 = arith.constant 128 : i32
      %mul3A_93 = arith.muli %add3A_91, %mul3A_92 : i32
      %add3A_94 = arith.addi %mul3A_2, %mul3A_93 : i32
      %dma_wait3A_95 = arith.constant 0 : i32
      %dma_wait3A_96 = arith.constant 0 : i32
      %dma_wait3A_97 = tpu.memref_slice %arg15[%dma_wait3A_95, %dma_wait3A_96] : memref<10112x128xf32, #tpu.memory_space<vmem_shared>> -> memref<10112x128xf32, #tpu.memory_space<vmem_shared>>
      tpu.wait_indirect_dma semaphore(%arg22 : memref<!tpu.dma_semaphore, #tpu.memory_space<semaphore_mem>>) src(%arg14 : memref<128x128xf32, #tpu.memory_space<vmem>>) dst(%dma_wait3A_97 : memref<10112x128xf32, #tpu.memory_space<vmem_shared>>)
      %add3A_98 = arith.constant 128 : i32
      %add3A_99 = arith.addi %add3A_94, %add3A_98 : i32
      %dma_start3A_100 = tpu.memref_slice %arg3[%arg0, %add3A_99] : memref<2x323712xi32, #tpu.memory_space<hbm>> -> memref<1x128xi32, #tpu.memory_space<hbm>>
      %dma_start3A_101 = tpu.memref_squeeze %dma_start3A_100 : memref<1x128xi32, #tpu.memory_space<hbm>> -> memref<128xi32, #tpu.memory_space<hbm>>
      %dma_start3A_102 = tpu.memref_slice %arg3[%arg0, %add3A_99] : memref<2x323712xi32, #tpu.memory_space<hbm>> -> memref<1x128xi32, #tpu.memory_space<hbm>>
      %dma_start3A_103 = tpu.memref_squeeze %dma_start3A_102 : memref<1x128xi32, #tpu.memory_space<hbm>> -> memref<128xi32, #tpu.memory_space<hbm>>
      tpu.enqueue_dma source(%dma_start3A_103 : memref<128xi32, #tpu.memory_space<hbm>>) target(%arg9 : memref<128xi32, #tpu.memory_space<vmem>>) target_semaphore(%arg17 : memref<!tpu.dma_semaphore, #tpu.memory_space<semaphore_mem>>)
      %dma_start3A_104 = tpu.memref_slice %arg4[%add3A_99] : memref<323712xi32, #tpu.memory_space<hbm>> -> memref<128xi32, #tpu.memory_space<hbm>>
      %dma_start3A_105 = tpu.memref_slice %arg4[%add3A_99] : memref<323712xi32, #tpu.memory_space<hbm>> -> memref<128xi32, #tpu.memory_space<hbm>>
      tpu.enqueue_dma source(%dma_start3A_105 : memref<128xi32, #tpu.memory_space<hbm>>) target(%arg10 : memref<128xi32, #tpu.memory_space<vmem>>) target_semaphore(%arg17 : memref<!tpu.dma_semaphore, #tpu.memory_space<semaphore_mem>>)
      %dma_wait3A_106 = tpu.memref_slice %arg3[%arg0, %add3A_94] : memref<2x323712xi32, #tpu.memory_space<hbm>> -> memref<1x128xi32, #tpu.memory_space<hbm>>
      %dma_wait3A_107 = tpu.memref_squeeze %dma_wait3A_106 : memref<1x128xi32, #tpu.memory_space<hbm>> -> memref<128xi32, #tpu.memory_space<hbm>>
      %dma_wait3A_108 = tpu.memref_slice %arg3[%arg0, %add3A_94] : memref<2x323712xi32, #tpu.memory_space<hbm>> -> memref<1x128xi32, #tpu.memory_space<hbm>>
      %dma_wait3A_109 = tpu.memref_squeeze %dma_wait3A_108 : memref<1x128xi32, #tpu.memory_space<hbm>> -> memref<128xi32, #tpu.memory_space<hbm>>
      tpu.wait_dma2 semaphore(%arg16 : memref<!tpu.dma_semaphore, #tpu.memory_space<semaphore_mem>>) src(%dma_wait3A_109 : memref<128xi32, #tpu.memory_space<hbm>>) dst(%arg7 : memref<128xi32, #tpu.memory_space<vmem>>)
      %dma_wait3A_110 = tpu.memref_slice %arg4[%add3A_94] : memref<323712xi32, #tpu.memory_space<hbm>> -> memref<128xi32, #tpu.memory_space<hbm>>
      %dma_wait3A_111 = tpu.memref_slice %arg4[%add3A_94] : memref<323712xi32, #tpu.memory_space<hbm>> -> memref<128xi32, #tpu.memory_space<hbm>>
      tpu.wait_dma2 semaphore(%arg16 : memref<!tpu.dma_semaphore, #tpu.memory_space<semaphore_mem>>) src(%dma_wait3A_111 : memref<128xi32, #tpu.memory_space<hbm>>) dst(%arg8 : memref<128xi32, #tpu.memory_space<vmem>>)
      %dma_start3A_112 = arith.constant 0 : i32
      %dma_start3A_113 = arith.constant 0 : i32
      %dma_start3A_114 = tpu.memref_slice %arg2[%dma_start3A_112, %dma_start3A_113] : memref<20000x128xf32, #tpu.memory_space<hbm>> -> memref<20000x128xf32, #tpu.memory_space<hbm>>
      tpu.enqueue_indirect_dma source(%dma_start3A_114 : memref<20000x128xf32, #tpu.memory_space<hbm>>) target(%arg14 : memref<128x128xf32, #tpu.memory_space<vmem>>) offsets(%arg7 : memref<128xi32, #tpu.memory_space<vmem>>) semaphore(%arg20 : memref<!tpu.dma_semaphore, #tpu.memory_space<semaphore_mem>>)
      %dma_wait3A_115 = arith.constant 0 : i32
      %dma_wait3A_116 = arith.constant 0 : i32
      %dma_wait3A_117 = tpu.memref_slice %arg2[%dma_wait3A_115, %dma_wait3A_116] : memref<20000x128xf32, #tpu.memory_space<hbm>> -> memref<20000x128xf32, #tpu.memory_space<hbm>>
      tpu.wait_indirect_dma semaphore(%arg19 : memref<!tpu.dma_semaphore, #tpu.memory_space<semaphore_mem>>) src(%dma_wait3A_117 : memref<20000x128xf32, #tpu.memory_space<hbm>>) dst(%arg13 : memref<128x128xf32, #tpu.memory_space<vmem>>)
      %dma_start3A_118 = arith.constant 0 : i32
      %dma_start3A_119 = arith.constant 0 : i32
      %dma_start3A_120 = tpu.memref_slice %arg15[%dma_start3A_118, %dma_start3A_119] : memref<10112x128xf32, #tpu.memory_space<vmem_shared>> -> memref<10112x128xf32, #tpu.memory_space<vmem_shared>>
      tpu.enqueue_indirect_dma source(%arg13 : memref<128x128xf32, #tpu.memory_space<vmem>>) target(%dma_start3A_120 : memref<10112x128xf32, #tpu.memory_space<vmem_shared>>) offsets(%arg12 : memref<128xi32, #tpu.memory_space<vmem>>) semaphore(%arg21 : memref<!tpu.dma_semaphore, #tpu.memory_space<semaphore_mem>>) {add = true}
      %mul3A_121 = arith.constant 6 : i32
      %mul3A_122 = arith.muli %mul3A_121, %scan3A_54 : i32
      %add3A_123 = arith.constant 4 : i32
      %add3A_124 = arith.addi %mul3A_122, %add3A_123 : i32
      %mul3A_125 = arith.constant 128 : i32
      %mul3A_126 = arith.muli %add3A_124, %mul3A_125 : i32
      %add3A_127 = arith.addi %mul3A_2, %mul3A_126 : i32
      %dma_wait3A_128 = arith.constant 0 : i32
      %dma_wait3A_129 = arith.constant 0 : i32
      %dma_wait3A_130 = tpu.memref_slice %arg15[%dma_wait3A_128, %dma_wait3A_129] : memref<10112x128xf32, #tpu.memory_space<vmem_shared>> -> memref<10112x128xf32, #tpu.memory_space<vmem_shared>>
      tpu.wait_indirect_dma semaphore(%arg21 : memref<!tpu.dma_semaphore, #tpu.memory_space<semaphore_mem>>) src(%arg13 : memref<128x128xf32, #tpu.memory_space<vmem>>) dst(%dma_wait3A_130 : memref<10112x128xf32, #tpu.memory_space<vmem_shared>>)
      %add3A_131 = arith.constant 128 : i32
      %add3A_132 = arith.addi %add3A_127, %add3A_131 : i32
      %dma_start3A_133 = tpu.memref_slice %arg3[%arg0, %add3A_132] : memref<2x323712xi32, #tpu.memory_space<hbm>> -> memref<1x128xi32, #tpu.memory_space<hbm>>
      %dma_start3A_134 = tpu.memref_squeeze %dma_start3A_133 : memref<1x128xi32, #tpu.memory_space<hbm>> -> memref<128xi32, #tpu.memory_space<hbm>>
      %dma_start3A_135 = tpu.memref_slice %arg3[%arg0, %add3A_132] : memref<2x323712xi32, #tpu.memory_space<hbm>> -> memref<1x128xi32, #tpu.memory_space<hbm>>
      %dma_start3A_136 = tpu.memref_squeeze %dma_start3A_135 : memref<1x128xi32, #tpu.memory_space<hbm>> -> memref<128xi32, #tpu.memory_space<hbm>>
      tpu.enqueue_dma source(%dma_start3A_136 : memref<128xi32, #tpu.memory_space<hbm>>) target(%arg11 : memref<128xi32, #tpu.memory_space<vmem>>) target_semaphore(%arg18 : memref<!tpu.dma_semaphore, #tpu.memory_space<semaphore_mem>>)
      %dma_start3A_137 = tpu.memref_slice %arg4[%add3A_132] : memref<323712xi32, #tpu.memory_space<hbm>> -> memref<128xi32, #tpu.memory_space<hbm>>
      %dma_start3A_138 = tpu.memref_slice %arg4[%add3A_132] : memref<323712xi32, #tpu.memory_space<hbm>> -> memref<128xi32, #tpu.memory_space<hbm>>
      tpu.enqueue_dma source(%dma_start3A_138 : memref<128xi32, #tpu.memory_space<hbm>>) target(%arg12 : memref<128xi32, #tpu.memory_space<vmem>>) target_semaphore(%arg18 : memref<!tpu.dma_semaphore, #tpu.memory_space<semaphore_mem>>)
      %dma_wait3A_139 = tpu.memref_slice %arg3[%arg0, %add3A_127] : memref<2x323712xi32, #tpu.memory_space<hbm>> -> memref<1x128xi32, #tpu.memory_space<hbm>>
      %dma_wait3A_140 = tpu.memref_squeeze %dma_wait3A_139 : memref<1x128xi32, #tpu.memory_space<hbm>> -> memref<128xi32, #tpu.memory_space<hbm>>
      %dma_wait3A_141 = tpu.memref_slice %arg3[%arg0, %add3A_127] : memref<2x323712xi32, #tpu.memory_space<hbm>> -> memref<1x128xi32, #tpu.memory_space<hbm>>
      %dma_wait3A_142 = tpu.memref_squeeze %dma_wait3A_141 : memref<1x128xi32, #tpu.memory_space<hbm>> -> memref<128xi32, #tpu.memory_space<hbm>>
      tpu.wait_dma2 semaphore(%arg17 : memref<!tpu.dma_semaphore, #tpu.memory_space<semaphore_mem>>) src(%dma_wait3A_142 : memref<128xi32, #tpu.memory_space<hbm>>) dst(%arg9 : memref<128xi32, #tpu.memory_space<vmem>>)
      %dma_wait3A_143 = tpu.memref_slice %arg4[%add3A_127] : memref<323712xi32, #tpu.memory_space<hbm>> -> memref<128xi32, #tpu.memory_space<hbm>>
      %dma_wait3A_144 = tpu.memref_slice %arg4[%add3A_127] : memref<323712xi32, #tpu.memory_space<hbm>> -> memref<128xi32, #tpu.memory_space<hbm>>
      tpu.wait_dma2 semaphore(%arg17 : memref<!tpu.dma_semaphore, #tpu.memory_space<semaphore_mem>>) src(%dma_wait3A_144 : memref<128xi32, #tpu.memory_space<hbm>>) dst(%arg10 : memref<128xi32, #tpu.memory_space<vmem>>)
      %dma_start3A_145 = arith.constant 0 : i32
      %dma_start3A_146 = arith.constant 0 : i32
      %dma_start3A_147 = tpu.memref_slice %arg2[%dma_start3A_145, %dma_start3A_146] : memref<20000x128xf32, #tpu.memory_space<hbm>> -> memref<20000x128xf32, #tpu.memory_space<hbm>>
      tpu.enqueue_indirect_dma source(%dma_start3A_147 : memref<20000x128xf32, #tpu.memory_space<hbm>>) target(%arg13 : memref<128x128xf32, #tpu.memory_space<vmem>>) offsets(%arg9 : memref<128xi32, #tpu.memory_space<vmem>>) semaphore(%arg19 : memref<!tpu.dma_semaphore, #tpu.memory_space<semaphore_mem>>)
      %dma_wait3A_148 = arith.constant 0 : i32
      %dma_wait3A_149 = arith.constant 0 : i32
      %dma_wait3A_150 = tpu.memref_slice %arg2[%dma_wait3A_148, %dma_wait3A_149] : memref<20000x128xf32, #tpu.memory_space<hbm>> -> memref<20000x128xf32, #tpu.memory_space<hbm>>
      tpu.wait_indirect_dma semaphore(%arg20 : memref<!tpu.dma_semaphore, #tpu.memory_space<semaphore_mem>>) src(%dma_wait3A_150 : memref<20000x128xf32, #tpu.memory_space<hbm>>) dst(%arg14 : memref<128x128xf32, #tpu.memory_space<vmem>>)
      %dma_start3A_151 = arith.constant 0 : i32
      %dma_start3A_152 = arith.constant 0 : i32
      %dma_start3A_153 = tpu.memref_slice %arg15[%dma_start3A_151, %dma_start3A_152] : memref<10112x128xf32, #tpu.memory_space<vmem_shared>> -> memref<10112x128xf32, #tpu.memory_space<vmem_shared>>
      tpu.enqueue_indirect_dma source(%arg14 : memref<128x128xf32, #tpu.memory_space<vmem>>) target(%dma_start3A_153 : memref<10112x128xf32, #tpu.memory_space<vmem_shared>>) offsets(%arg8 : memref<128xi32, #tpu.memory_space<vmem>>) semaphore(%arg22 : memref<!tpu.dma_semaphore, #tpu.memory_space<semaphore_mem>>) {add = true}
      %mul3A_154 = arith.constant 6 : i32
      %mul3A_155 = arith.muli %mul3A_154, %scan3A_54 : i32
      %add3A_156 = arith.constant 5 : i32
      %add3A_157 = arith.addi %mul3A_155, %add3A_156 : i32
      %mul3A_158 = arith.constant 128 : i32
      %mul3A_159 = arith.muli %add3A_157, %mul3A_158 : i32
      %add3A_160 = arith.addi %mul3A_2, %mul3A_159 : i32
      %dma_wait3A_161 = arith.constant 0 : i32
      %dma_wait3A_162 = arith.constant 0 : i32
      %dma_wait3A_163 = tpu.memref_slice %arg15[%dma_wait3A_161, %dma_wait3A_162] : memref<10112x128xf32, #tpu.memory_space<vmem_shared>> -> memref<10112x128xf32, #tpu.memory_space<vmem_shared>>
      tpu.wait_indirect_dma semaphore(%arg22 : memref<!tpu.dma_semaphore, #tpu.memory_space<semaphore_mem>>) src(%arg14 : memref<128x128xf32, #tpu.memory_space<vmem>>) dst(%dma_wait3A_163 : memref<10112x128xf32, #tpu.memory_space<vmem_shared>>)
      %add3A_164 = arith.constant 128 : i32
      %add3A_165 = arith.addi %add3A_160, %add3A_164 : i32
      %dma_start3A_166 = tpu.memref_slice %arg3[%arg0, %add3A_165] : memref<2x323712xi32, #tpu.memory_space<hbm>> -> memref<1x128xi32, #tpu.memory_space<hbm>>
      %dma_start3A_167 = tpu.memref_squeeze %dma_start3A_166 : memref<1x128xi32, #tpu.memory_space<hbm>> -> memref<128xi32, #tpu.memory_space<hbm>>
      %dma_start3A_168 = tpu.memref_slice %arg3[%arg0, %add3A_165] : memref<2x323712xi32, #tpu.memory_space<hbm>> -> memref<1x128xi32, #tpu.memory_space<hbm>>
      %dma_start3A_169 = tpu.memref_squeeze %dma_start3A_168 : memref<1x128xi32, #tpu.memory_space<hbm>> -> memref<128xi32, #tpu.memory_space<hbm>>
      tpu.enqueue_dma source(%dma_start3A_169 : memref<128xi32, #tpu.memory_space<hbm>>) target(%arg7 : memref<128xi32, #tpu.memory_space<vmem>>) target_semaphore(%arg16 : memref<!tpu.dma_semaphore, #tpu.memory_space<semaphore_mem>>)
      %dma_start3A_170 = tpu.memref_slice %arg4[%add3A_165] : memref<323712xi32, #tpu.memory_space<hbm>> -> memref<128xi32, #tpu.memory_space<hbm>>
      %dma_start3A_171 = tpu.memref_slice %arg4[%add3A_165] : memref<323712xi32, #tpu.memory_space<hbm>> -> memref<128xi32, #tpu.memory_space<hbm>>
      tpu.enqueue_dma source(%dma_start3A_171 : memref<128xi32, #tpu.memory_space<hbm>>) target(%arg8 : memref<128xi32, #tpu.memory_space<vmem>>) target_semaphore(%arg16 : memref<!tpu.dma_semaphore, #tpu.memory_space<semaphore_mem>>)
      %dma_wait3A_172 = tpu.memref_slice %arg3[%arg0, %add3A_160] : memref<2x323712xi32, #tpu.memory_space<hbm>> -> memref<1x128xi32, #tpu.memory_space<hbm>>
      %dma_wait3A_173 = tpu.memref_squeeze %dma_wait3A_172 : memref<1x128xi32, #tpu.memory_space<hbm>> -> memref<128xi32, #tpu.memory_space<hbm>>
      %dma_wait3A_174 = tpu.memref_slice %arg3[%arg0, %add3A_160] : memref<2x323712xi32, #tpu.memory_space<hbm>> -> memref<1x128xi32, #tpu.memory_space<hbm>>
      %dma_wait3A_175 = tpu.memref_squeeze %dma_wait3A_174 : memref<1x128xi32, #tpu.memory_space<hbm>> -> memref<128xi32, #tpu.memory_space<hbm>>
      tpu.wait_dma2 semaphore(%arg18 : memref<!tpu.dma_semaphore, #tpu.memory_space<semaphore_mem>>) src(%dma_wait3A_175 : memref<128xi32, #tpu.memory_space<hbm>>) dst(%arg11 : memref<128xi32, #tpu.memory_space<vmem>>)
      %dma_wait3A_176 = tpu.memref_slice %arg4[%add3A_160] : memref<323712xi32, #tpu.memory_space<hbm>> -> memref<128xi32, #tpu.memory_space<hbm>>
      %dma_wait3A_177 = tpu.memref_slice %arg4[%add3A_160] : memref<323712xi32, #tpu.memory_space<hbm>> -> memref<128xi32, #tpu.memory_space<hbm>>
      tpu.wait_dma2 semaphore(%arg18 : memref<!tpu.dma_semaphore, #tpu.memory_space<semaphore_mem>>) src(%dma_wait3A_177 : memref<128xi32, #tpu.memory_space<hbm>>) dst(%arg12 : memref<128xi32, #tpu.memory_space<vmem>>)
      %dma_start3A_178 = arith.constant 0 : i32
      %dma_start3A_179 = arith.constant 0 : i32
      %dma_start3A_180 = tpu.memref_slice %arg2[%dma_start3A_178, %dma_start3A_179] : memref<20000x128xf32, #tpu.memory_space<hbm>> -> memref<20000x128xf32, #tpu.memory_space<hbm>>
      tpu.enqueue_indirect_dma source(%dma_start3A_180 : memref<20000x128xf32, #tpu.memory_space<hbm>>) target(%arg14 : memref<128x128xf32, #tpu.memory_space<vmem>>) offsets(%arg11 : memref<128xi32, #tpu.memory_space<vmem>>) semaphore(%arg20 : memref<!tpu.dma_semaphore, #tpu.memory_space<semaphore_mem>>)
      %dma_wait3A_181 = arith.constant 0 : i32
      %dma_wait3A_182 = arith.constant 0 : i32
      %dma_wait3A_183 = tpu.memref_slice %arg2[%dma_wait3A_181, %dma_wait3A_182] : memref<20000x128xf32, #tpu.memory_space<hbm>> -> memref<20000x128xf32, #tpu.memory_space<hbm>>
      tpu.wait_indirect_dma semaphore(%arg19 : memref<!tpu.dma_semaphore, #tpu.memory_space<semaphore_mem>>) src(%dma_wait3A_183 : memref<20000x128xf32, #tpu.memory_space<hbm>>) dst(%arg13 : memref<128x128xf32, #tpu.memory_space<vmem>>)
      %dma_start3A_184 = arith.constant 0 : i32
      %dma_start3A_185 = arith.constant 0 : i32
      %dma_start3A_186 = tpu.memref_slice %arg15[%dma_start3A_184, %dma_start3A_185] : memref<10112x128xf32, #tpu.memory_space<vmem_shared>> -> memref<10112x128xf32, #tpu.memory_space<vmem_shared>>
      tpu.enqueue_indirect_dma source(%arg13 : memref<128x128xf32, #tpu.memory_space<vmem>>) target(%dma_start3A_186 : memref<10112x128xf32, #tpu.memory_space<vmem_shared>>) offsets(%arg10 : memref<128xi32, #tpu.memory_space<vmem>>) semaphore(%arg21 : memref<!tpu.dma_semaphore, #tpu.memory_space<semaphore_mem>>) {add = true}
      %mul3A_187 = arith.constant 6 : i32
      %mul3A_188 = arith.muli %mul3A_187, %scan3A_54 : i32
      %add3A_189 = arith.constant 6 : i32
      %add3A_190 = arith.addi %mul3A_188, %add3A_189 : i32
      %mul3A_191 = arith.constant 128 : i32
      %mul3A_192 = arith.muli %add3A_190, %mul3A_191 : i32
      %add3A_193 = arith.addi %mul3A_2, %mul3A_192 : i32
      %dma_wait3A_194 = arith.constant 0 : i32
      %dma_wait3A_195 = arith.constant 0 : i32
      %dma_wait3A_196 = tpu.memref_slice %arg15[%dma_wait3A_194, %dma_wait3A_195] : memref<10112x128xf32, #tpu.memory_space<vmem_shared>> -> memref<10112x128xf32, #tpu.memory_space<vmem_shared>>
      tpu.wait_indirect_dma semaphore(%arg21 : memref<!tpu.dma_semaphore, #tpu.memory_space<semaphore_mem>>) src(%arg13 : memref<128x128xf32, #tpu.memory_space<vmem>>) dst(%dma_wait3A_196 : memref<10112x128xf32, #tpu.memory_space<vmem_shared>>)
      %add3A_197 = arith.constant 128 : i32
      %add3A_198 = arith.addi %add3A_193, %add3A_197 : i32
      %dma_start3A_199 = tpu.memref_slice %arg3[%arg0, %add3A_198] : memref<2x323712xi32, #tpu.memory_space<hbm>> -> memref<1x128xi32, #tpu.memory_space<hbm>>
      %dma_start3A_200 = tpu.memref_squeeze %dma_start3A_199 : memref<1x128xi32, #tpu.memory_space<hbm>> -> memref<128xi32, #tpu.memory_space<hbm>>
      %dma_start3A_201 = tpu.memref_slice %arg3[%arg0, %add3A_198] : memref<2x323712xi32, #tpu.memory_space<hbm>> -> memref<1x128xi32, #tpu.memory_space<hbm>>
      %dma_start3A_202 = tpu.memref_squeeze %dma_start3A_201 : memref<1x128xi32, #tpu.memory_space<hbm>> -> memref<128xi32, #tpu.memory_space<hbm>>
      tpu.enqueue_dma source(%dma_start3A_202 : memref<128xi32, #tpu.memory_space<hbm>>) target(%arg9 : memref<128xi32, #tpu.memory_space<vmem>>) target_semaphore(%arg17 : memref<!tpu.dma_semaphore, #tpu.memory_space<semaphore_mem>>)
      %dma_start3A_203 = tpu.memref_slice %arg4[%add3A_198] : memref<323712xi32, #tpu.memory_space<hbm>> -> memref<128xi32, #tpu.memory_space<hbm>>
      %dma_start3A_204 = tpu.memref_slice %arg4[%add3A_198] : memref<323712xi32, #tpu.memory_space<hbm>> -> memref<128xi32, #tpu.memory_space<hbm>>
      tpu.enqueue_dma source(%dma_start3A_204 : memref<128xi32, #tpu.memory_space<hbm>>) target(%arg10 : memref<128xi32, #tpu.memory_space<vmem>>) target_semaphore(%arg17 : memref<!tpu.dma_semaphore, #tpu.memory_space<semaphore_mem>>)
      %dma_wait3A_205 = tpu.memref_slice %arg3[%arg0, %add3A_193] : memref<2x323712xi32, #tpu.memory_space<hbm>> -> memref<1x128xi32, #tpu.memory_space<hbm>>
      %dma_wait3A_206 = tpu.memref_squeeze %dma_wait3A_205 : memref<1x128xi32, #tpu.memory_space<hbm>> -> memref<128xi32, #tpu.memory_space<hbm>>
      %dma_wait3A_207 = tpu.memref_slice %arg3[%arg0, %add3A_193] : memref<2x323712xi32, #tpu.memory_space<hbm>> -> memref<1x128xi32, #tpu.memory_space<hbm>>
      %dma_wait3A_208 = tpu.memref_squeeze %dma_wait3A_207 : memref<1x128xi32, #tpu.memory_space<hbm>> -> memref<128xi32, #tpu.memory_space<hbm>>
      tpu.wait_dma2 semaphore(%arg16 : memref<!tpu.dma_semaphore, #tpu.memory_space<semaphore_mem>>) src(%dma_wait3A_208 : memref<128xi32, #tpu.memory_space<hbm>>) dst(%arg7 : memref<128xi32, #tpu.memory_space<vmem>>)
      %dma_wait3A_209 = tpu.memref_slice %arg4[%add3A_193] : memref<323712xi32, #tpu.memory_space<hbm>> -> memref<128xi32, #tpu.memory_space<hbm>>
      %dma_wait3A_210 = tpu.memref_slice %arg4[%add3A_193] : memref<323712xi32, #tpu.memory_space<hbm>> -> memref<128xi32, #tpu.memory_space<hbm>>
      tpu.wait_dma2 semaphore(%arg16 : memref<!tpu.dma_semaphore, #tpu.memory_space<semaphore_mem>>) src(%dma_wait3A_210 : memref<128xi32, #tpu.memory_space<hbm>>) dst(%arg8 : memref<128xi32, #tpu.memory_space<vmem>>)
      %dma_start3A_211 = arith.constant 0 : i32
      %dma_start3A_212 = arith.constant 0 : i32
      %dma_start3A_213 = tpu.memref_slice %arg2[%dma_start3A_211, %dma_start3A_212] : memref<20000x128xf32, #tpu.memory_space<hbm>> -> memref<20000x128xf32, #tpu.memory_space<hbm>>
      tpu.enqueue_indirect_dma source(%dma_start3A_213 : memref<20000x128xf32, #tpu.memory_space<hbm>>) target(%arg13 : memref<128x128xf32, #tpu.memory_space<vmem>>) offsets(%arg7 : memref<128xi32, #tpu.memory_space<vmem>>) semaphore(%arg19 : memref<!tpu.dma_semaphore, #tpu.memory_space<semaphore_mem>>)
      %dma_wait3A_214 = arith.constant 0 : i32
      %dma_wait3A_215 = arith.constant 0 : i32
      %dma_wait3A_216 = tpu.memref_slice %arg2[%dma_wait3A_214, %dma_wait3A_215] : memref<20000x128xf32, #tpu.memory_space<hbm>> -> memref<20000x128xf32, #tpu.memory_space<hbm>>
      tpu.wait_indirect_dma semaphore(%arg20 : memref<!tpu.dma_semaphore, #tpu.memory_space<semaphore_mem>>) src(%dma_wait3A_216 : memref<20000x128xf32, #tpu.memory_space<hbm>>) dst(%arg14 : memref<128x128xf32, #tpu.memory_space<vmem>>)
      %dma_start3A_217 = arith.constant 0 : i32
      %dma_start3A_218 = arith.constant 0 : i32
      %dma_start3A_219 = tpu.memref_slice %arg15[%dma_start3A_217, %dma_start3A_218] : memref<10112x128xf32, #tpu.memory_space<vmem_shared>> -> memref<10112x128xf32, #tpu.memory_space<vmem_shared>>
      tpu.enqueue_indirect_dma source(%arg14 : memref<128x128xf32, #tpu.memory_space<vmem>>) target(%dma_start3A_219 : memref<10112x128xf32, #tpu.memory_space<vmem_shared>>) offsets(%arg12 : memref<128xi32, #tpu.memory_space<vmem>>) semaphore(%arg22 : memref<!tpu.dma_semaphore, #tpu.memory_space<semaphore_mem>>) {add = true}
      %mul3A_220 = arith.constant 6 : i32
      %mul3A_221 = arith.muli %mul3A_220, %scan3A_54 : i32
      %add3A_222 = arith.constant 7 : i32
      %add3A_223 = arith.addi %mul3A_221, %add3A_222 : i32
      %mul3A_224 = arith.constant 128 : i32
      %mul3A_225 = arith.muli %add3A_223, %mul3A_224 : i32
      %add3A_226 = arith.addi %mul3A_2, %mul3A_225 : i32
      %dma_wait3A_227 = arith.constant 0 : i32
      %dma_wait3A_228 = arith.constant 0 : i32
      %dma_wait3A_229 = tpu.memref_slice %arg15[%dma_wait3A_227, %dma_wait3A_228] : memref<10112x128xf32, #tpu.memory_space<vmem_shared>> -> memref<10112x128xf32, #tpu.memory_space<vmem_shared>>
      tpu.wait_indirect_dma semaphore(%arg22 : memref<!tpu.dma_semaphore, #tpu.memory_space<semaphore_mem>>) src(%arg14 : memref<128x128xf32, #tpu.memory_space<vmem>>) dst(%dma_wait3A_229 : memref<10112x128xf32, #tpu.memory_space<vmem_shared>>)
      %add3A_230 = arith.constant 128 : i32
      %add3A_231 = arith.addi %add3A_226, %add3A_230 : i32
      %dma_start3A_232 = tpu.memref_slice %arg3[%arg0, %add3A_231] : memref<2x323712xi32, #tpu.memory_space<hbm>> -> memref<1x128xi32, #tpu.memory_space<hbm>>
      %dma_start3A_233 = tpu.memref_squeeze %dma_start3A_232 : memref<1x128xi32, #tpu.memory_space<hbm>> -> memref<128xi32, #tpu.memory_space<hbm>>
      %dma_start3A_234 = tpu.memref_slice %arg3[%arg0, %add3A_231] : memref<2x323712xi32, #tpu.memory_space<hbm>> -> memref<1x128xi32, #tpu.memory_space<hbm>>
      %dma_start3A_235 = tpu.memref_squeeze %dma_start3A_234 : memref<1x128xi32, #tpu.memory_space<hbm>> -> memref<128xi32, #tpu.memory_space<hbm>>
      tpu.enqueue_dma source(%dma_start3A_235 : memref<128xi32, #tpu.memory_space<hbm>>) target(%arg11 : memref<128xi32, #tpu.memory_space<vmem>>) target_semaphore(%arg18 : memref<!tpu.dma_semaphore, #tpu.memory_space<semaphore_mem>>)
      %dma_start3A_236 = tpu.memref_slice %arg4[%add3A_231] : memref<323712xi32, #tpu.memory_space<hbm>> -> memref<128xi32, #tpu.memory_space<hbm>>
      %dma_start3A_237 = tpu.memref_slice %arg4[%add3A_231] : memref<323712xi32, #tpu.memory_space<hbm>> -> memref<128xi32, #tpu.memory_space<hbm>>
      tpu.enqueue_dma source(%dma_start3A_237 : memref<128xi32, #tpu.memory_space<hbm>>) target(%arg12 : memref<128xi32, #tpu.memory_space<vmem>>) target_semaphore(%arg18 : memref<!tpu.dma_semaphore, #tpu.memory_space<semaphore_mem>>)
      %dma_wait3A_238 = tpu.memref_slice %arg3[%arg0, %add3A_226] : memref<2x323712xi32, #tpu.memory_space<hbm>> -> memref<1x128xi32, #tpu.memory_space<hbm>>
      %dma_wait3A_239 = tpu.memref_squeeze %dma_wait3A_238 : memref<1x128xi32, #tpu.memory_space<hbm>> -> memref<128xi32, #tpu.memory_space<hbm>>
      %dma_wait3A_240 = tpu.memref_slice %arg3[%arg0, %add3A_226] : memref<2x323712xi32, #tpu.memory_space<hbm>> -> memref<1x128xi32, #tpu.memory_space<hbm>>
      %dma_wait3A_241 = tpu.memref_squeeze %dma_wait3A_240 : memref<1x128xi32, #tpu.memory_space<hbm>> -> memref<128xi32, #tpu.memory_space<hbm>>
      tpu.wait_dma2 semaphore(%arg17 : memref<!tpu.dma_semaphore, #tpu.memory_space<semaphore_mem>>) src(%dma_wait3A_241 : memref<128xi32, #tpu.memory_space<hbm>>) dst(%arg9 : memref<128xi32, #tpu.memory_space<vmem>>)
      %dma_wait3A_242 = tpu.memref_slice %arg4[%add3A_226] : memref<323712xi32, #tpu.memory_space<hbm>> -> memref<128xi32, #tpu.memory_space<hbm>>
      %dma_wait3A_243 = tpu.memref_slice %arg4[%add3A_226] : memref<323712xi32, #tpu.memory_space<hbm>> -> memref<128xi32, #tpu.memory_space<hbm>>
      tpu.wait_dma2 semaphore(%arg17 : memref<!tpu.dma_semaphore, #tpu.memory_space<semaphore_mem>>) src(%dma_wait3A_243 : memref<128xi32, #tpu.memory_space<hbm>>) dst(%arg10 : memref<128xi32, #tpu.memory_space<vmem>>)
      %dma_start3A_244 = arith.constant 0 : i32
      %dma_start3A_245 = arith.constant 0 : i32
      %dma_start3A_246 = tpu.memref_slice %arg2[%dma_start3A_244, %dma_start3A_245] : memref<20000x128xf32, #tpu.memory_space<hbm>> -> memref<20000x128xf32, #tpu.memory_space<hbm>>
      tpu.enqueue_indirect_dma source(%dma_start3A_246 : memref<20000x128xf32, #tpu.memory_space<hbm>>) target(%arg14 : memref<128x128xf32, #tpu.memory_space<vmem>>) offsets(%arg9 : memref<128xi32, #tpu.memory_space<vmem>>) semaphore(%arg20 : memref<!tpu.dma_semaphore, #tpu.memory_space<semaphore_mem>>)
      %dma_wait3A_247 = arith.constant 0 : i32
      %dma_wait3A_248 = arith.constant 0 : i32
      %dma_wait3A_249 = tpu.memref_slice %arg2[%dma_wait3A_247, %dma_wait3A_248] : memref<20000x128xf32, #tpu.memory_space<hbm>> -> memref<20000x128xf32, #tpu.memory_space<hbm>>
      tpu.wait_indirect_dma semaphore(%arg19 : memref<!tpu.dma_semaphore, #tpu.memory_space<semaphore_mem>>) src(%dma_wait3A_249 : memref<20000x128xf32, #tpu.memory_space<hbm>>) dst(%arg13 : memref<128x128xf32, #tpu.memory_space<vmem>>)
      %dma_start3A_250 = arith.constant 0 : i32
      %dma_start3A_251 = arith.constant 0 : i32
      %dma_start3A_252 = tpu.memref_slice %arg15[%dma_start3A_250, %dma_start3A_251] : memref<10112x128xf32, #tpu.memory_space<vmem_shared>> -> memref<10112x128xf32, #tpu.memory_space<vmem_shared>>
      tpu.enqueue_indirect_dma source(%arg13 : memref<128x128xf32, #tpu.memory_space<vmem>>) target(%dma_start3A_252 : memref<10112x128xf32, #tpu.memory_space<vmem_shared>>) offsets(%arg8 : memref<128xi32, #tpu.memory_space<vmem>>) semaphore(%arg21 : memref<!tpu.dma_semaphore, #tpu.memory_space<semaphore_mem>>) {add = true}
    }
    %scan3A_28 = arith.constant 26 : i32
    %add3A_29 = arith.constant 20224 : i32
    %add3A_30 = arith.addi %mul3A_2, %add3A_29 : i32
    %dma_wait3A_31 = tpu.memref_slice %arg3[%arg0, %add3A_30] : memref<2x323712xi32, #tpu.memory_space<hbm>> -> memref<1x128xi32, #tpu.memory_space<hbm>>
    %dma_wait3A_32 = tpu.memref_squeeze %dma_wait3A_31 : memref<1x128xi32, #tpu.memory_space<hbm>> -> memref<128xi32, #tpu.memory_space<hbm>>
    %dma_wait3A_33 = tpu.memref_slice %arg3[%arg0, %add3A_30] : memref<2x323712xi32, #tpu.memory_space<hbm>> -> memref<1x128xi32, #tpu.memory_space<hbm>>
    %dma_wait3A_34 = tpu.memref_squeeze %dma_wait3A_33 : memref<1x128xi32, #tpu.memory_space<hbm>> -> memref<128xi32, #tpu.memory_space<hbm>>
    tpu.wait_dma2 semaphore(%arg18 : memref<!tpu.dma_semaphore, #tpu.memory_space<semaphore_mem>>) src(%dma_wait3A_34 : memref<128xi32, #tpu.memory_space<hbm>>) dst(%arg11 : memref<128xi32, #tpu.memory_space<vmem>>)
    %dma_wait3A_35 = tpu.memref_slice %arg4[%add3A_30] : memref<323712xi32, #tpu.memory_space<hbm>> -> memref<128xi32, #tpu.memory_space<hbm>>
    %dma_wait3A_36 = tpu.memref_slice %arg4[%add3A_30] : memref<323712xi32, #tpu.memory_space<hbm>> -> memref<128xi32, #tpu.memory_space<hbm>>
    tpu.wait_dma2 semaphore(%arg18 : memref<!tpu.dma_semaphore, #tpu.memory_space<semaphore_mem>>) src(%dma_wait3A_36 : memref<128xi32, #tpu.memory_space<hbm>>) dst(%arg12 : memref<128xi32, #tpu.memory_space<vmem>>)
    %dma_wait3A_37 = arith.constant 0 : i32
    %dma_wait3A_38 = arith.constant 0 : i32
    %dma_wait3A_39 = tpu.memref_slice %arg2[%dma_wait3A_37, %dma_wait3A_38] : memref<20000x128xf32, #tpu.memory_space<hbm>> -> memref<20000x128xf32, #tpu.memory_space<hbm>>
    tpu.wait_indirect_dma semaphore(%arg20 : memref<!tpu.dma_semaphore, #tpu.memory_space<semaphore_mem>>) src(%dma_wait3A_39 : memref<20000x128xf32, #tpu.memory_space<hbm>>) dst(%arg14 : memref<128x128xf32, #tpu.memory_space<vmem>>)
    %dma_start3A_40 = arith.constant 0 : i32
    %dma_start3A_41 = arith.constant 0 : i32
    %dma_start3A_42 = tpu.memref_slice %arg15[%dma_start3A_40, %dma_start3A_41] : memref<10112x128xf32, #tpu.memory_space<vmem_shared>> -> memref<10112x128xf32, #tpu.memory_space<vmem_shared>>
    tpu.enqueue_indirect_dma source(%arg14 : memref<128x128xf32, #tpu.memory_space<vmem>>) target(%dma_start3A_42 : memref<10112x128xf32, #tpu.memory_space<vmem_shared>>) offsets(%arg10 : memref<128xi32, #tpu.memory_space<vmem>>) semaphore(%arg22 : memref<!tpu.dma_semaphore, #tpu.memory_space<semaphore_mem>>) {add = true}
    %dma_wait3A_43 = arith.constant 0 : i32
    %dma_wait3A_44 = arith.constant 0 : i32
    %dma_wait3A_45 = tpu.memref_slice %arg15[%dma_wait3A_43, %dma_wait3A_44] : memref<10112x128xf32, #tpu.memory_space<vmem_shared>> -> memref<10112x128xf32, #tpu.memory_space<vmem_shared>>
    tpu.wait_indirect_dma semaphore(%arg21 : memref<!tpu.dma_semaphore, #tpu.memory_space<semaphore_mem>>) src(%arg13 : memref<128x128xf32, #tpu.memory_space<vmem>>) dst(%dma_wait3A_45 : memref<10112x128xf32, #tpu.memory_space<vmem_shared>>)
    %dma_wait3A_46 = arith.constant 0 : i32
    %dma_wait3A_47 = arith.constant 0 : i32
    %dma_wait3A_48 = tpu.memref_slice %arg15[%dma_wait3A_46, %dma_wait3A_47] : memref<10112x128xf32, #tpu.memory_space<vmem_shared>> -> memref<10112x128xf32, #tpu.memory_space<vmem_shared>>
    tpu.wait_indirect_dma semaphore(%arg22 : memref<!tpu.dma_semaphore, #tpu.memory_space<semaphore_mem>>) src(%arg14 : memref<128x128xf32, #tpu.memory_space<vmem>>) dst(%dma_wait3A_48 : memref<10112x128xf32, #tpu.memory_space<vmem_shared>>)
    %barrier3A_49 = arith.constant 0 : index
    tpu.barrier barrier_id(%barrier3A_49)
    %mul3A_50 = arith.constant 632 : i32
    %mul3A_51 = arith.muli %arg1, %mul3A_50 : i32
    %mul3A_52 = arith.constant 632 : i32
    %mul3A_53 = arith.muli %arg1, %mul3A_52 : i32
    "tpu.region"() ({
      %run_scoped3A = tpu.sem_alloc : memref<!tpu.dma_semaphore, #tpu.memory_space<semaphore_mem>>
      %dma_start3A_54 = arith.constant 0 : i32
      %dma_start3A_55 = tpu.memref_slice %arg6[%arg0, %mul3A_53, %dma_start3A_54] : memref<2x10112x128xf32, #tpu.memory_space<hbm>> -> memref<1x632x128xf32, #tpu.memory_space<hbm>>
      %dma_start3A_56 = tpu.memref_squeeze %dma_start3A_55 : memref<1x632x128xf32, #tpu.memory_space<hbm>> -> memref<632x128xf32, #tpu.memory_space<hbm>>
      %dma_start3A_57 = arith.constant 0 : i32
      %dma_start3A_58 = tpu.memref_slice %arg15[%mul3A_51, %dma_start3A_57] : memref<10112x128xf32, #tpu.memory_space<vmem_shared>> -> memref<632x128xf32, #tpu.memory_space<vmem_shared>>
      tpu.enqueue_dma source(%dma_start3A_58 : memref<632x128xf32, #tpu.memory_space<vmem_shared>>) target(%dma_start3A_56 : memref<632x128xf32, #tpu.memory_space<hbm>>) target_semaphore(%run_scoped3A : memref<!tpu.dma_semaphore, #tpu.memory_space<semaphore_mem>>)
      %dma_wait3A_59 = arith.constant 0 : i32
      %dma_wait3A_60 = tpu.memref_slice %arg6[%arg0, %mul3A_53, %dma_wait3A_59] : memref<2x10112x128xf32, #tpu.memory_space<hbm>> -> memref<1x632x128xf32, #tpu.memory_space<hbm>>
      %dma_wait3A_61 = tpu.memref_squeeze %dma_wait3A_60 : memref<1x632x128xf32, #tpu.memory_space<hbm>> -> memref<632x128xf32, #tpu.memory_space<hbm>>
      %dma_wait3A_62 = arith.constant 0 : i32
      %dma_wait3A_63 = tpu.memref_slice %arg15[%mul3A_51, %dma_wait3A_62] : memref<10112x128xf32, #tpu.memory_space<vmem_shared>> -> memref<632x128xf32, #tpu.memory_space<vmem_shared>>
      tpu.wait_dma2 semaphore(%run_scoped3A : memref<!tpu.dma_semaphore, #tpu.memory_space<semaphore_mem>>) src(%dma_wait3A_63 : memref<632x128xf32, #tpu.memory_space<vmem_shared>>) dst(%dma_wait3A_61 : memref<632x128xf32, #tpu.memory_space<hbm>>)
      tpu.yield
    }) : () -> ()
    return
  }
}

module attributes {stable_mosaic.version = 14 : i64} {
  func.func @_pre_body(%arg0: i32, %arg1: memref<2000x128xf32, #tpu.memory_space<vmem>>, %arg2: memref<128x128xf32, #tpu.memory_space<vmem>>, %arg3: memref<128x128xf32, #tpu.memory_space<vmem>>, %arg4: memref<2x2000x128xf32, #tpu.memory_space<vmem>>) attributes {dimension_semantics = [#tpu.dimension_semantics<arbitrary>], iteration_bounds = array<i64: 5>, scalar_prefetch = 0 : i64, scratch_operands = 0 : i64, tpu.core_type = #tpu.core_type<tc>, window_params = [{transform_indices = @transform_0, window_bounds = array<i64: 2000, 128>}, {pipeline_mode = #tpu.pipeline_mode<synchronous>, transform_indices = @transform_1, window_bounds = array<i64: 128, 128>}, {pipeline_mode = #tpu.pipeline_mode<synchronous>, transform_indices = @transform_2, window_bounds = array<i64: 128, 128>}, {transform_indices = @transform_3, window_bounds = array<i64: 2, 2000, 128>}]} {
    %get3A = arith.constant 0 : index
    %get3A_0 = arith.constant 0 : index
    %get3A_1 = vector.load %arg1[%get3A, %get3A_0] : memref<2000x128xf32, #tpu.memory_space<vmem>>, vector<2000x128xf32>
    %get3A_2 = arith.constant 0 : index
    %get3A_3 = arith.constant 0 : index
    %get3A_4 = vector.load %arg2[%get3A_2, %get3A_3] : memref<128x128xf32, #tpu.memory_space<vmem>>, vector<128x128xf32>
    %dot_general3A = arith.constant dense<0.000000e+00> : vector<2000x128xf32>
    %dot_general3A_5 = tpu.matmul %get3A_1, %get3A_4, %dot_general3A {dimension_numbers = #tpu.dot_dimension_numbers<[1], [0], [0], [1], [0, 0, 1, 1], [], []>, transpose_lhs_hint = false} : vector<2000x128xf32>, vector<128x128xf32>, vector<2000x128xf32> -> vector<2000x128xf32>
    %get3A_6 = arith.constant 0 : index
    %get3A_7 = arith.constant 0 : index
    %get3A_8 = vector.load %arg3[%get3A_6, %get3A_7] : memref<128x128xf32, #tpu.memory_space<vmem>>, vector<128x128xf32>
    %dot_general3A_9 = arith.constant dense<0.000000e+00> : vector<2000x128xf32>
    %dot_general3A_10 = tpu.matmul %get3A_1, %get3A_8, %dot_general3A_9 {dimension_numbers = #tpu.dot_dimension_numbers<[1], [0], [0], [1], [0, 0, 1, 1], [], []>, transpose_lhs_hint = false} : vector<2000x128xf32>, vector<128x128xf32>, vector<2000x128xf32> -> vector<2000x128xf32>
    %exp3A = math.exp %dot_general3A_10 : vector<2000x128xf32>
    %mul3A = arith.mulf %dot_general3A_5, %exp3A : vector<2000x128xf32>
    %swap3A = arith.constant 0 : index
    %swap3A_11 = arith.constant 0 : index
    %swap3A_12 = arith.constant 0 : index
    %swap3A_13 = vector.load %arg4[%swap3A, %swap3A_11, %swap3A_12] : memref<2x2000x128xf32, #tpu.memory_space<vmem>>, vector<1x2000x128xf32>
    %swap3A_14 = vector.shape_cast %swap3A_13 : vector<1x2000x128xf32> to vector<2000x128xf32>
    %swap3A_15 = vector.shape_cast %mul3A : vector<2000x128xf32> to vector<1x2000x128xf32>
    tpu.vector_store %arg4[%swap3A, %swap3A_11, %swap3A_12], %swap3A_15 {strides = array<i32>} : memref<2x2000x128xf32, #tpu.memory_space<vmem>>, vector<1x2000x128xf32>,
    %swap3A_16 = arith.constant 1 : index
    %swap3A_17 = arith.constant 0 : index
    %swap3A_18 = arith.constant 0 : index
    %swap3A_19 = vector.load %arg4[%swap3A_16, %swap3A_17, %swap3A_18] : memref<2x2000x128xf32, #tpu.memory_space<vmem>>, vector<1x2000x128xf32>
    %swap3A_20 = vector.shape_cast %swap3A_19 : vector<1x2000x128xf32> to vector<2000x128xf32>
    %swap3A_21 = vector.shape_cast %exp3A : vector<2000x128xf32> to vector<1x2000x128xf32>
    tpu.vector_store %arg4[%swap3A_16, %swap3A_17, %swap3A_18], %swap3A_21 {strides = array<i32>} : memref<2x2000x128xf32, #tpu.memory_space<vmem>>, vector<1x2000x128xf32>,
    return
  }
  func.func @transform_0(%arg0: i32) -> (i32, i32) {
    %c0_i32 = arith.constant 0 : i32
    %c0_i32_0 = arith.constant 0 : i32
    return %arg0, %c0_i32 : i32, i32
  }
  func.func @transform_1(%arg0: i32) -> (i32, i32) {
    %c0_i32 = arith.constant 0 : i32
    %c0_i32_0 = arith.constant 0 : i32
    %c0_i32_1 = arith.constant 0 : i32
    return %c0_i32, %c0_i32_0 : i32, i32
  }
  func.func @transform_2(%arg0: i32) -> (i32, i32) {
    %c0_i32 = arith.constant 0 : i32
    %c0_i32_0 = arith.constant 0 : i32
    %c0_i32_1 = arith.constant 0 : i32
    return %c0_i32, %c0_i32_0 : i32, i32
  }
  func.func @transform_3(%arg0: i32) -> (i32, i32, i32) {
    %c0_i32 = arith.constant 0 : i32
    %c0_i32_0 = arith.constant 0 : i32
    %c0_i32_1 = arith.constant 0 : i32
    return %c0_i32, %arg0, %c0_i32_0 : i32, i32, i32
  }
}

module attributes {stable_mosaic.version = 14 : i64} {
  func.func @_post_body(%arg0: i32, %arg1: memref<2x2000x128xf32, #tpu.memory_space<vmem>>, %arg2: memref<2000x128xf32, #tpu.memory_space<vmem>>, %arg3: memref<1x128xf32, #tpu.memory_space<vmem>>, %arg4: memref<1x128xf32, #tpu.memory_space<vmem>>, %arg5: memref<128x512xf32, #tpu.memory_space<vmem>>, %arg6: memref<1x512xf32, #tpu.memory_space<vmem>>, %arg7: memref<1x512xf32, #tpu.memory_space<vmem>>, %arg8: memref<512x128xf32, #tpu.memory_space<vmem>>, %arg9: memref<1x128xf32, #tpu.memory_space<vmem>>, %arg10: memref<2000x128xf32, #tpu.memory_space<vmem>>) attributes {dimension_semantics = [#tpu.dimension_semantics<arbitrary>], iteration_bounds = array<i64: 5>, scalar_prefetch = 0 : i64, scratch_operands = 0 : i64, tpu.core_type = #tpu.core_type<tc>, window_params = [{transform_indices = @transform_0, window_bounds = array<i64: 2, 2000, 128>}, {transform_indices = @transform_1, window_bounds = array<i64: 2000, 128>}, {pipeline_mode = #tpu.pipeline_mode<synchronous>, transform_indices = @transform_2, window_bounds = array<i64: 1, 128>}, {pipeline_mode = #tpu.pipeline_mode<synchronous>, transform_indices = @transform_3, window_bounds = array<i64: 1, 128>}, {pipeline_mode = #tpu.pipeline_mode<synchronous>, transform_indices = @transform_4, window_bounds = array<i64: 128, 512>}, {pipeline_mode = #tpu.pipeline_mode<synchronous>, transform_indices = @transform_5, window_bounds = array<i64: 1, 512>}, {pipeline_mode = #tpu.pipeline_mode<synchronous>, transform_indices = @transform_6, window_bounds = array<i64: 1, 512>}, {pipeline_mode = #tpu.pipeline_mode<synchronous>, transform_indices = @transform_7, window_bounds = array<i64: 512, 128>}, {pipeline_mode = #tpu.pipeline_mode<synchronous>, transform_indices = @transform_8, window_bounds = array<i64: 1, 128>}, {transform_indices = @transform_9, window_bounds = array<i64: 2000, 128>}]} {
    %get3A = arith.constant 0 : index
    %get3A_0 = arith.constant 0 : index
    %get3A_1 = arith.constant 0 : index
    %get3A_2 = vector.load %arg1[%get3A, %get3A_0, %get3A_1] : memref<2x2000x128xf32, #tpu.memory_space<vmem>>, vector<1x2000x128xf32>
    %get3A_3 = vector.shape_cast %get3A_2 : vector<1x2000x128xf32> to vector<2000x128xf32>
    %get3A_4 = arith.constant 1 : index
    %get3A_5 = arith.constant 0 : index
    %get3A_6 = arith.constant 0 : index
    %get3A_7 = vector.load %arg1[%get3A_4, %get3A_5, %get3A_6] : memref<2x2000x128xf32, #tpu.memory_space<vmem>>, vector<1x2000x128xf32>
    %get3A_8 = vector.shape_cast %get3A_7 : vector<1x2000x128xf32> to vector<2000x128xf32>
    %get3A_9 = arith.constant 0 : index
    %get3A_10 = arith.constant 0 : index
    %get3A_11 = vector.load %arg3[%get3A_9, %get3A_10] : memref<1x128xf32, #tpu.memory_space<vmem>>, vector<1x128xf32>
    %get3A_12 = arith.constant 0 : index
    %get3A_13 = arith.constant 0 : index
    %get3A_14 = vector.load %arg4[%get3A_12, %get3A_13] : memref<1x128xf32, #tpu.memory_space<vmem>>, vector<1x128xf32>
    %gt3A = arith.constant 0.000000e+00 : f32
    %gt3A_15 = vector.broadcast %gt3A : f32 to vector<2000x128xf32>
    %gt3A_16 = arith.cmpf ogt, %get3A_8, %gt3A_15 : vector<2000x128xf32>
    %jit3A = arith.constant 1.000000e+00 : f32
    %broadcast_in_dim3A = vector.broadcast %jit3A : f32 to vector<2000x128xf32>
    %select_n3A = arith.select %gt3A_16, %get3A_8, %broadcast_in_dim3A : vector<2000x128xi1>, vector<2000x128xf32>
    %gt3A_17 = arith.constant 0.000000e+00 : f32
    %gt3A_18 = vector.broadcast %gt3A_17 : f32 to vector<2000x128xf32>
    %gt3A_19 = arith.cmpf ogt, %get3A_8, %gt3A_18 : vector<2000x128xf32>
    %div3A = arith.divf %get3A_3, %select_n3A : vector<2000x128xf32>
    %jit3A_20 = arith.constant 0.000000e+00 : f32
    %broadcast_in_dim3A_21 = vector.broadcast %jit3A_20 : f32 to vector<2000x128xf32>
    %select_n3A_22 = arith.select %gt3A_19, %div3A, %broadcast_in_dim3A_21 : vector<2000x128xi1>, vector<2000x128xf32>
    %get3A_23 = arith.constant 0 : index
    %get3A_24 = arith.constant 0 : index
    %get3A_25 = vector.load %arg2[%get3A_23, %get3A_24] : memref<2000x128xf32, #tpu.memory_space<vmem>>, vector<2000x128xf32>
    %add3A = arith.addf %select_n3A_22, %get3A_25 : vector<2000x128xf32>
    %reduce_sum3A = arith.constant dense<0.000000e+00> : vector<2000xf32>
    %reduce_sum3A_26 = vector.multi_reduction <add>, %add3A, %reduce_sum3A [1] : vector<2000x128xf32> to vector<2000xf32>
    %broadcast_in_dim3A_27 = vector.shape_cast %reduce_sum3A_26 : vector<2000xf32> to vector<2000x1xf32>
    %div3A_28 = arith.constant 1.280000e+02 : f32
    %div3A_29 = vector.broadcast %div3A_28 : f32 to vector<2000x1xf32>
    %div3A_30 = arith.divf %broadcast_in_dim3A_27, %div3A_29 : vector<2000x1xf32>
    %sub3A = vector.broadcast %div3A_30 : vector<2000x1xf32> to vector<2000x128xf32>
    %sub3A_31 = arith.subf %add3A, %sub3A : vector<2000x128xf32>
    %integer_pow3A = arith.mulf %sub3A_31, %sub3A_31 : vector<2000x128xf32>
    %reduce_sum3A_32 = arith.constant dense<0.000000e+00> : vector<2000xf32>
    %reduce_sum3A_33 = vector.multi_reduction <add>, %integer_pow3A, %reduce_sum3A_32 [1] : vector<2000x128xf32> to vector<2000xf32>
    %broadcast_in_dim3A_34 = vector.shape_cast %reduce_sum3A_33 : vector<2000xf32> to vector<2000x1xf32>
    %div3A_35 = arith.constant 1.280000e+02 : f32
    %div3A_36 = vector.broadcast %div3A_35 : f32 to vector<2000x1xf32>
    %div3A_37 = arith.divf %broadcast_in_dim3A_34, %div3A_36 : vector<2000x1xf32>
    %sub3A_38 = vector.broadcast %div3A_30 : vector<2000x1xf32> to vector<2000x128xf32>
    %sub3A_39 = arith.subf %add3A, %sub3A_38 : vector<2000x128xf32>
    %add3A_40 = arith.constant 9.99999974E-6 : f32
    %add3A_41 = vector.broadcast %add3A_40 : f32 to vector<2000x1xf32>
    %add3A_42 = arith.addf %div3A_37, %add3A_41 : vector<2000x1xf32>
    %rsqrt3A = math.rsqrt %add3A_42 : vector<2000x1xf32>
    %mul3A = vector.broadcast %rsqrt3A : vector<2000x1xf32> to vector<2000x128xf32>
    %mul3A_43 = arith.mulf %sub3A_39, %mul3A : vector<2000x128xf32>
    %mul3A_44 = vector.broadcast %get3A_11 : vector<1x128xf32> to vector<2000x128xf32>
    %mul3A_45 = arith.mulf %mul3A_43, %mul3A_44 : vector<2000x128xf32>
    %add3A_46 = vector.broadcast %get3A_14 : vector<1x128xf32> to vector<2000x128xf32>
    %add3A_47 = arith.addf %mul3A_45, %add3A_46 : vector<2000x128xf32>
    %get3A_48 = arith.constant 0 : index
    %get3A_49 = arith.constant 0 : index
    %get3A_50 = vector.load %arg5[%get3A_48, %get3A_49] : memref<128x512xf32, #tpu.memory_space<vmem>>, vector<128x512xf32>
    %dot_general3A = arith.constant dense<0.000000e+00> : vector<2000x512xf32>
    %dot_general3A_51 = tpu.matmul %add3A_47, %get3A_50, %dot_general3A {dimension_numbers = #tpu.dot_dimension_numbers<[1], [0], [0], [1], [0, 0, 1, 1], [], []>, transpose_lhs_hint = false} : vector<2000x128xf32>, vector<128x512xf32>, vector<2000x512xf32> -> vector<2000x512xf32>
    %get3A_52 = arith.constant 0 : index
    %get3A_53 = arith.constant 0 : index
    %get3A_54 = vector.load %arg6[%get3A_52, %get3A_53] : memref<1x512xf32, #tpu.memory_space<vmem>>, vector<1x512xf32>
    %add3A_55 = vector.broadcast %get3A_54 : vector<1x512xf32> to vector<2000x512xf32>
    %add3A_56 = arith.addf %dot_general3A_51, %add3A_55 : vector<2000x512xf32>
    %ge3A = arith.constant 0.000000e+00 : f32
    %ge3A_57 = vector.broadcast %ge3A : f32 to vector<2000x512xf32>
    %ge3A_58 = arith.cmpf oge, %add3A_56, %ge3A_57 : vector<2000x512xf32>
    %get3A_59 = arith.constant 0 : index
    %get3A_60 = arith.constant 0 : index
    %get3A_61 = vector.load %arg7[%get3A_59, %get3A_60] : memref<1x512xf32, #tpu.memory_space<vmem>>, vector<1x512xf32>
    %mul3A_62 = vector.broadcast %get3A_61 : vector<1x512xf32> to vector<2000x512xf32>
    %mul3A_63 = arith.mulf %mul3A_62, %add3A_56 : vector<2000x512xf32>
    %select_n3A_64 = arith.select %ge3A_58, %add3A_56, %mul3A_63 : vector<2000x512xi1>, vector<2000x512xf32>
    %get3A_65 = arith.constant 0 : index
    %get3A_66 = arith.constant 0 : index
    %get3A_67 = vector.load %arg8[%get3A_65, %get3A_66] : memref<512x128xf32, #tpu.memory_space<vmem>>, vector<512x128xf32>
    %dot_general3A_68 = arith.constant dense<0.000000e+00> : vector<2000x128xf32>
    %dot_general3A_69 = tpu.matmul %select_n3A_64, %get3A_67, %dot_general3A_68 {dimension_numbers = #tpu.dot_dimension_numbers<[1], [0], [0], [1], [0, 0, 1, 1], [], []>, transpose_lhs_hint = false} : vector<2000x512xf32>, vector<512x128xf32>, vector<2000x128xf32> -> vector<2000x128xf32>
    %add3A_70 = arith.addf %add3A_47, %dot_general3A_69 : vector<2000x128xf32>
    %get3A_71 = arith.constant 0 : index
    %get3A_72 = arith.constant 0 : index
    %get3A_73 = vector.load %arg9[%get3A_71, %get3A_72] : memref<1x128xf32, #tpu.memory_space<vmem>>, vector<1x128xf32>
    %add3A_74 = vector.broadcast %get3A_73 : vector<1x128xf32> to vector<2000x128xf32>
    %add3A_75 = arith.addf %add3A_70, %add3A_74 : vector<2000x128xf32>
    %reduce_sum3A_76 = arith.constant dense<0.000000e+00> : vector<2000xf32>
    %reduce_sum3A_77 = vector.multi_reduction <add>, %add3A_75, %reduce_sum3A_76 [1] : vector<2000x128xf32> to vector<2000xf32>
    %broadcast_in_dim3A_78 = vector.shape_cast %reduce_sum3A_77 : vector<2000xf32> to vector<2000x1xf32>
    %div3A_79 = arith.constant 1.280000e+02 : f32
    %div3A_80 = vector.broadcast %div3A_79 : f32 to vector<2000x1xf32>
    %div3A_81 = arith.divf %broadcast_in_dim3A_78, %div3A_80 : vector<2000x1xf32>
    %sub3A_82 = vector.broadcast %div3A_81 : vector<2000x1xf32> to vector<2000x128xf32>
    %sub3A_83 = arith.subf %add3A_75, %sub3A_82 : vector<2000x128xf32>
    %integer_pow3A_84 = arith.mulf %sub3A_83, %sub3A_83 : vector<2000x128xf32>
    %reduce_sum3A_85 = arith.constant dense<0.000000e+00> : vector<2000xf32>
    %reduce_sum3A_86 = vector.multi_reduction <add>, %integer_pow3A_84, %reduce_sum3A_85 [1] : vector<2000x128xf32> to vector<2000xf32>
    %broadcast_in_dim3A_87 = vector.shape_cast %reduce_sum3A_86 : vector<2000xf32> to vector<2000x1xf32>
    %div3A_88 = arith.constant 1.280000e+02 : f32
    %div3A_89 = vector.broadcast %div3A_88 : f32 to vector<2000x1xf32>
    %div3A_90 = arith.divf %broadcast_in_dim3A_87, %div3A_89 : vector<2000x1xf32>
    %sub3A_91 = vector.broadcast %div3A_81 : vector<2000x1xf32> to vector<2000x128xf32>
    %sub3A_92 = arith.subf %add3A_75, %sub3A_91 : vector<2000x128xf32>
    %add3A_93 = arith.constant 9.99999974E-6 : f32
    %add3A_94 = vector.broadcast %add3A_93 : f32 to vector<2000x1xf32>
    %add3A_95 = arith.addf %div3A_90, %add3A_94 : vector<2000x1xf32>
    %rsqrt3A_96 = math.rsqrt %add3A_95 : vector<2000x1xf32>
    %mul3A_97 = vector.broadcast %rsqrt3A_96 : vector<2000x1xf32> to vector<2000x128xf32>
    %mul3A_98 = arith.mulf %sub3A_92, %mul3A_97 : vector<2000x128xf32>
    %mul3A_99 = vector.broadcast %get3A_11 : vector<1x128xf32> to vector<2000x128xf32>
    %mul3A_100 = arith.mulf %mul3A_98, %mul3A_99 : vector<2000x128xf32>
    %add3A_101 = vector.broadcast %get3A_14 : vector<1x128xf32> to vector<2000x128xf32>
    %add3A_102 = arith.addf %mul3A_100, %add3A_101 : vector<2000x128xf32>
    %swap3A = arith.constant 0 : index
    %swap3A_103 = arith.constant 0 : index
    %swap3A_104 = vector.load %arg10[%swap3A, %swap3A_103] : memref<2000x128xf32, #tpu.memory_space<vmem>>, vector<2000x128xf32>
    tpu.vector_store %arg10[%swap3A, %swap3A_103], %add3A_102 {strides = array<i32>} : memref<2000x128xf32, #tpu.memory_space<vmem>>, vector<2000x128xf32>,
    return
  }
  func.func @transform_0(%arg0: i32) -> (i32, i32, i32) {
    %c0_i32 = arith.constant 0 : i32
    %c0_i32_0 = arith.constant 0 : i32
    %c0_i32_1 = arith.constant 0 : i32
    return %c0_i32, %arg0, %c0_i32_0 : i32, i32, i32
  }
  func.func @transform_1(%arg0: i32) -> (i32, i32) {
    %c0_i32 = arith.constant 0 : i32
    %c0_i32_0 = arith.constant 0 : i32
    return %arg0, %c0_i32 : i32, i32
  }
  func.func @transform_2(%arg0: i32) -> (i32, i32) {
    %c0_i32 = arith.constant 0 : i32
    %c0_i32_0 = arith.constant 0 : i32
    %c0_i32_1 = arith.constant 0 : i32
    return %c0_i32, %c0_i32_0 : i32, i32
  }
  func.func @transform_3(%arg0: i32) -> (i32, i32) {
    %c0_i32 = arith.constant 0 : i32
    %c0_i32_0 = arith.constant 0 : i32
    %c0_i32_1 = arith.constant 0 : i32
    return %c0_i32, %c0_i32_0 : i32, i32
  }
  func.func @transform_4(%arg0: i32) -> (i32, i32) {
    %c0_i32 = arith.constant 0 : i32
    %c0_i32_0 = arith.constant 0 : i32
    %c0_i32_1 = arith.constant 0 : i32
    return %c0_i32, %c0_i32_0 : i32, i32
  }
  func.func @transform_5(%arg0: i32) -> (i32, i32) {
    %c0_i32 = arith.constant 0 : i32
    %c0_i32_0 = arith.constant 0 : i32
    %c0_i32_1 = arith.constant 0 : i32
    return %c0_i32, %c0_i32_0 : i32, i32
  }
  func.func @transform_6(%arg0: i32) -> (i32, i32) {
    %c0_i32 = arith.constant 0 : i32
    %c0_i32_0 = arith.constant 0 : i32
    %c0_i32_1 = arith.constant 0 : i32
    return %c0_i32, %c0_i32_0 : i32, i32
  }
  func.func @transform_7(%arg0: i32) -> (i32, i32) {
    %c0_i32 = arith.constant 0 : i32
    %c0_i32_0 = arith.constant 0 : i32
    %c0_i32_1 = arith.constant 0 : i32
    return %c0_i32, %c0_i32_0 : i32, i32
  }
  func.func @transform_8(%arg0: i32) -> (i32, i32) {
    %c0_i32 = arith.constant 0 : i32
    %c0_i32_0 = arith.constant 0 : i32
    %c0_i32_1 = arith.constant 0 : i32
    return %c0_i32, %c0_i32_0 : i32, i32
  }
  func.func @transform_9(%arg0: i32) -> (i32, i32) {
    %c0_i32 = arith.constant 0 : i32
    %c0_i32_0 = arith.constant 0 : i32
    return %arg0, %c0_i32 : i32, i32
  }
}

</mosaic_0001>

<sc_bundles>
// kernel: kernel.5.cloned.1.call-start
scs
__scs_entry_jumppad:
0x0: {  	(pc) =	sbr.rel $0x88, $3  }
0x1: {  	(tag) =	ssettag $0x0;
	lr =	simm.s32 $0x1  }
0x2: {  	[smem:$0x3F96] =	sst lr;
	_ =	strace $0xD0000000  }
0x3: {  	_ = 	snop  }
0x4: {  	_ = 	snop  }
0x5: {  	_ = 	snop  }
0x6: {  	_ = 	snop  }
0x7: {  	_ = 	snop  }
__scs_overlays_trampoline_lowered:
0x8: {  	[smem:$0x3FA5] =	sst s0  }
0x9: {  	[smem:$0x3FA6] =	sst s1  }
0xa: {  	[smem:$0x3FA7] =	sst s2  }
0xb: {  	[smem:$0x3FA8] =	sst s3  }
0xc: {  	[smem:$0x3FA9] =	sst s4  }
0xd: {  	[smem:$0x3FAA] =	sst s5  }
0xe: {  	[smem:$0x3FAB] =	sst s6  }
0xf: {  	[smem:$0x3FAC] =	sst s7  }
0x10: {  	[smem:$0x3FAD] =	sst s8  }
0x11: {  	[smem:$0x3FAE] =	sst s9;
	s0 =	simm.s32 @!p0 $0x0  }
0x12: {  	s1 =	sld [smem:$0x3F94];
	s0 =	simm.s32 @p0 $0x1  }
0x13: {  	[smem:$0x3FAF] =	sst s0;
	s0 =	simm.s32 @!p1 $0x0  }
0x14: {  	s2 =	sld [smem:$0x3F93];
	s0 =	simm.s32 @p1 $0x1  }
0x15: {  	[smem:$0x3FB0] =	sst s0;
	s0 =	simm.s32 @!p2 $0x0  }
0x16: {  	s3 =	sld [smem:$0x3FDB];
	s0 =	simm.s32 @p2 $0x1  }
0x17: {  	s4 =	simm.s32 $0x1BF5;
	[smem:$0x3FB2] =	sst s0  }
0x18: {  	s0 =	sld [smem:$0x3F95];
	_ =	swait.ge [sflag:s4], $0x0  }
0x19: {  	s7 =	sld [smem:$0x3F96]  }
0x1a: {  	s8 =	sadd.s32 $0xFFFFE003, lr  }
0x1b: {  	s9 =	sadd.s32 $0xFFFFFEF7, lr;
	s5 =	simm.s32 $0xFFFFFFFF;
	p2 =	slt.u32 s8, $0xFFFFF086  }
0x1c: {  	p1 =	slt.u32 s9, $0xF7A;
	s5 =	simm.s32 @!p2 $0x0  }
0x1d: {  	s5 =	simm.s32 @p1 $0x1;
	p0 =	seq.s32 s7, s2  }
0x1e: {  	s7 =	smul.u32 @!p0 $0xF7A, s2;
	p2 =	seq.s32 @!p0 s5, $0x0  }
0x1f: {  	s9 =	smul.u32 $0xF7A, s1;
	s8 =	simm.s32 @!p0 $0x1BF5;
	p2 =	por !p2, p0  }
0x20: {  	[sflag:s8] =	ssyncset.s32 @!p0 $0xFFFFF086;
	s6 =	sadd.s32 @!p0 s3, s7;
	s7 =	simm.s32 @!p0 $0x108  }
0x21: {  	s3 =	sadd.s32 s3, s9;
	s6 =	sadd.s32 @!p0 $0x88, s6;
	s7 =	simm.s32 @p2 $0x1082  }
0x22: {  	[simem:s7], [sflag:s8] =	dma.local @!p0 [hbm:s6], $0xF7A  }
0x23: {  	s9 =	sor.u32 $0xD0000000, s2;
	s6 =	simm.s32 $0x108;
	_ =	swait.ge @!p0 [sflag:s8], $0x0  }
0x24: {  	s3 =	sadd.s32 $0x88, s3;
	s6 =	simm.s32 @!p1 $0x1082;
	[sflag:s4] =	ssyncset.s32 $0xFFFFF086  }
0x25: {  	[simem:s6], [sflag:s4] =	dma.local [hbm:s3], $0xF7A  }
0x26: {  	[smem:$0x3F96] =	sst s1;
	(tag) =	ssettag s2;
	_ =	strace s9  }
0x27: {  	s1 =	sld [smem:$0x3FA6]  }
0x28: {  	s2 =	sld [smem:$0x3FA7]  }
0x29: {  	s4 =	sld [smem:$0x3FA9]  }
0x2a: {  	p0 =	seq.s32 s5, $0x0;
	s5 =	sld [smem:$0x3FAA]  }
0x2b: {  	s6 =	sld [smem:$0x3FAB]  }
0x2c: {  	s7 =	sld [smem:$0x3FAC]  }
0x2d: {  	s3 =	simm.s32 $0x108;
	s8 =	sld [smem:$0x3FAD]  }
0x2e: {  	s3 =	simm.s32 @!p0 $0x1082;
	s9 =	sld [smem:$0x3FAE]  }
0x2f: {  	lr =	sadd.s32 s0, s3;
	s0 =	sld [smem:$0x3FA5]  }
0x30: {  	s3 =	sld [smem:$0x3FA8]  }
0x31: {  	[smem:$0x3FB1] =	sst s10  }
0x32: {  	s10 =	sld [smem:$0x3FAF];
	_ =	sdelay $0x3  }
0x33: {  	p0 =	seq.s32 s10, $0x1;
	s10 =	sld [smem:$0x3FB1];
	_ =	sdelay $0x3  }
0x34: {  	[smem:$0x3FB1] =	sst s10  }
0x35: {  	s10 =	sld [smem:$0x3FB0];
	_ =	sdelay $0x3  }
0x36: {  	p1 =	seq.s32 s10, $0x1;
	s10 =	sld [smem:$0x3FB1];
	_ =	sdelay $0x3  }
0x37: {  	[smem:$0x3FB1] =	sst s10  }
0x38: {  	s10 =	sld [smem:$0x3FB2]  }
0x39: {  	_ = 	snop;
	(pc) =	sbr.ind lr, $3  }
0x3a: {  	_ = 	snop  }
0x3b: {  	_ = 	snop  }
0x3c: {  	p2 =	seq.s32 s10, $0x1;
	s10 =	sld [smem:$0x3FB1]  }
0x3d: {  	_ =	shalt  }
0x3e: {  	_ =	shalt  }
0x3f: {  	_ =	shalt  }
0x40: {  	_ =	shalt  }
0x41: {  	_ =	shalt  }
0x42: {  	_ =	shalt  }
0x43: {  	_ =	shalt  }
0x44: {  	_ =	shalt  }
0x45: {  	_ =	shalt  }
0x46: {  	_ =	shalt  }
0x47: {  	_ =	shalt  }
0x48: {  	_ =	shalt  }
0x49: {  	_ =	shalt  }
0x4a: {  	_ =	shalt  }
0x4b: {  	_ =	shalt  }
0x4c: {  	_ =	shalt  }
0x4d: {  	_ =	shalt  }
0x4e: {  	_ =	shalt  }
0x4f: {  	_ =	shalt  }
0x50: {  	_ =	shalt  }
0x51: {  	_ =	shalt  }
0x52: {  	_ =	shalt  }
0x53: {  	_ =	shalt  }
0x54: {  	_ =	shalt  }
0x55: {  	_ =	shalt  }
0x56: {  	_ =	shalt  }
0x57: {  	_ =	shalt  }
0x58: {  	_ =	shalt  }
0x59: {  	_ =	shalt  }
0x5a: {  	_ =	shalt  }
0x5b: {  	_ =	shalt  }
0x5c: {  	_ =	shalt  }
0x5d: {  	_ =	shalt  }
0x5e: {  	_ =	shalt  }
0x5f: {  	_ =	shalt  }
0x60: {  	_ =	shalt  }
0x61: {  	_ =	shalt  }
0x62: {  	_ =	shalt  }
0x63: {  	_ =	shalt  }
0x64: {  	_ =	shalt  }
0x65: {  	_ =	shalt  }
0x66: {  	_ =	shalt  }
0x67: {  	_ =	shalt  }
0x68: {  	_ =	shalt  }
0x69: {  	_ =	shalt  }
0x6a: {  	_ =	shalt  }
0x6b: {  	_ =	shalt  }
0x6c: {  	_ =	shalt  }
0x6d: {  	_ =	shalt  }
0x6e: {  	_ =	shalt  }
0x6f: {  	_ =	shalt  }
0x70: {  	_ =	shalt  }
0x71: {  	_ =	shalt  }
0x72: {  	_ =	shalt  }
0x73: {  	_ =	shalt  }
0x74: {  	_ =	shalt  }
0x75: {  	_ =	shalt  }
0x76: {  	_ =	shalt  }
0x77: {  	_ =	shalt  }
0x78: {  	_ =	shalt  }
0x79: {  	_ =	shalt  }
0x7a: {  	_ =	shalt  }
0x7b: {  	_ =	shalt  }
0x7c: {  	_ =	shalt  }
0x7d: {  	_ =	shalt  }
0x7e: {  	_ =	shalt  }
0x7f: {  	_ =	shalt  }
0x80: {  	_ =	shalt  }
0x81: {  	_ =	shalt  }
0x82: {  	_ =	shalt  }
0x83: {  	_ =	shalt  }
0x84: {  	_ =	shalt  }
0x85: {  	_ =	shalt  }
0x86: {  	_ =	shalt  }
0x87: {  	_ =	shalt  }
.Lfunc_end0:
.L_simem_size_0:
called_computation_lowered:
.L_overlay_start_0:
0x88: {  	s2 =	sld [smem:$0x3FD9]  }
0x89: {  	s3 =	sld [smem:$0x3FFE];
	_ =	sdelay $0x1  }
0x8a: {  	s1 =	srdreg.scid  }
0x8b: {  	s0 =	sand.u32 $0x1, s1  }
0x8c: {  	s17 =	sshll.u32 s0, $0xA;
	s2 =	sadd.s32 s3, s2  }
0x8d: {  	s2 =	sadd.s32 s2, s17  }
0x8e: {  	[smem:$0x3FBD] =	sst s2  }
0x8f: {  	_ = 	snop  }
0x90: {  	s2 =	sld [smem:$0x3FD0];
	(tm) =	ssettm $0x1  }
0x91: {  	s18 =	sld [smem:$0x3FFB];
	_ =	sdelay $0x3  }
0x92: {  	_ =	strace s18  }
0x93: {  	s3 =	sld [smem:$0x3FFC];
	_ =	sdelay $0x3  }
0x94: {  	_ =	strace s3  }
0x95: {  	s3 =	sld [smem:$0x3FFD];
	_ =	sdelay $0x3  }
0x96: {  	_ =	strace s3  }
0x97: {  	_ =	strace $0x8FFFFFFF  }
0x98: {  	s19 =	sld [smem:$0x3FDB];
	_ =	sdelay $0x1  }
0x99: {  	s4 =	simm.s32 $_scs_section_size  }
0x9a: {  	s5 =	simm.s32 $_size__tile_overlayer_lowered;
	s6 =	simm.s32 $_tile_overlayer_lowered  }
0x9b: {  	s22 =	simm.s32 $0x1BFF;
	s21 =	sshll.u32 s6, $0x1;
	s3 =	sadd.s32 s4, s19  }
0x9c: {  	s7 =	simm.s32 $0x0;
	s20 =	sshll.u32 s5, $0x1;
	s5 =	sadd.s32 s21, s3  }
0x9d: {  	[timem:s7], [sflag:s22] =	dma.local [hbm:s5], s20  }
0x9e: {  	_ =	swait.ge [sflag:s22], s20  }
0x9f: {  	s4 =	ssub.s32 $0x0, s20;
	[sflag:s22] =	ssyncset.done $0x0  }
0xa0: {  	[sflag:s22] =	ssyncadd.s32 s4;
	_ =	sdelay $0x1  }
0xa1: {  	s23 =	simm.s32 $0x1B8B  }
0xa2: {  	_ =	swait.ge [sflag:s23], $0x1  }
0xa3: {  	[sflag:s23] =	ssyncset.done $0x0  }
0xa4: {  	s25 =	simm.s32 $0x1B8E;
	s24 =	sld [smem:$0x3FFE];
	[sflag:s23] =	ssyncadd.s32 $0xFFFFFFFF  }
0xa5: {  	s26 =	simm.s32 $execute0_lowered;
	[smem:$0x3FD2] =	sst s25  }
0xa6: {  	s5 =	sshll.u32 s26, $0x1;
	_ =	strace $0x80000046;
	[dreg:$0x1] =	wrdreg $0xFFFFFFFF  }
0xa7: {  	s28 =	simm.s32 $_size_execute0_lowered;
	s3 =	sadd.s32 s3, s5;
	[dreg:$0x0] =	wrdreg $0x0  }
0xa8: {  	s5 =	sshll.u32 s28, $0x1;
	[dreg:$0x2] =	wrdreg s3  }
0xa9: {  	[dreg:$0x3] =	wrdreg s5  }
0xaa: {  	[dreg:$0x4] =	wrdreg $0xC0  }
0xab: {  	_ =	task [dreg:s7], $0x5FFFF  }
0xac: {  	[dreg:$0x1] =	wrdreg $0xFFFFFFFF  }
0xad: {  	[dreg:$0x0] =	wrdreg $0x60  }
0xae: {  	[dreg:$0x2] =	wrdreg s24  }
0xaf: {  	[dreg:$0x3] =	wrdreg s2  }
0xb0: {  	[dreg:$0x4] =	wrdreg $0x83000  }
0xb1: {  	[dreg:$0x5] =	wrdreg $0x9  }
0xb2: {  	_ =	task.clear_ibuf [dreg:s7], $0x6FFFF;
	_ =	strace $0x90000046  }
0xb3: {  	s29 =	simm.s32 $0x9;
	_ =	strace $0x80000048  }
0xb4: {  	_ =	swait.ge [sflag:s29], $0x1  }
0xb5: {  	[sflag:s29] =	ssyncadd.s32 $0xFFFFFFFF  }
0xb6: {  	_ =	strace $0x90000048  }
0xb7: {  	_ =	sfence  }
0xb8: {  	s30 =	sld [smem:$0x0];
	_ =	sdelay $0x2  }
0xb9: {  	s31 =	sshll.u32 s1, $0xD;
	s1 =	sshrl.u32 s1, $0x2  }
0xba: {  	s3 =	sand.u32 $0x4000, s31;
	s1 =	sadd.s32 s1, s30  }
0xbb: {  	s0 =	sor.u32 s3, s0;
	s1 =	sshll.u32 s1, $0x11  }
0xbc: {  	s0 =	sor.u32 s1, s0  }
0xbd: {  	s0 =	sadd.s32 $0x8F2B, s0  }
0xbe: {  	[sflag:s0] =	ssyncadd.remote.s32 $0x1  }
0xbf: {  	_ =	sfence.sel $0xFFFF  }
0xc0: {  	[dreg:$0x0] =	wrdreg $0xFFFFFFFF;
	(pc) =	sbr.abs _section_cstart, $3  }
0xc1: {  	[dreg:$0x1] =	wrdreg $0xFFFFFFFF  }
0xc2: {  	_ =	task.clear_ibuf [dreg:s7], $0x2FFFF;
	_ =	strace $0x9FFFFFFF  }
0xc3: {  	(tm) =	ssettm $0x7FFFFFFF  }
tec
execute0_lowered:
.L_overlay_start_1:
0x0: {  	(tag) =	ssettag $0x1  }
0x1: {  	s0 =	rddreg [dreg:$0x0]  }
0x2: {  	s1 =	rddreg [dreg:$0x1]  }
0x3: {  	s2 =	rddreg [dreg:$0x2]  }
0x4: {  	s3 =	srdreg.scid;
	s4 =	simm.s32 $0x0;
	s13 =	stileid.u32  }
0x5: {  	s28 =	simm.s32 $0x180;
	s29 =	simm.s32 $0x200;
	s7 =	smul.u32 $0x13C00, s13  }
0x6: {  	s30 =	simm.s32 $0x280;
	s31 =	simm.s32 $0x4300;
	s18 =	smul.u32 $0x4F000, s13  }
0x7: {  	s3 =	sand.u32 $0x1, s3;
	[smem:$0x7FF] =	sst s4;
	s10 =	smul.u32 $0x4F00, s13  }
0x8: {  	s5 =	sadd.s32 $0xBC00, s0;
	s8 =	sadd.s32 $0x1C00, s0;
	s11 =	smul.u32 $0x9E00, s13  }
0x9: {  	s9 =	sadd.s32 $0x59E00, s0;
	s22 =	sshll.u32 s13, $0x6;
	s15 =	smul.u32 $0x9E0, s13  }
0xa: {  	s6 =	smul.u32 $0x13C000, s3;
	_ =	strace $0x80000047;
	[dreg:$0x5] =	wrdreg s9  }
0xb: {  	s19 =	ssub.s32 $0x2, s3;
	s3 =	sshll.u32 s3, $0x7;
	s14 =	sor.u32 $0x1C08, s22  }
0xc: {  	s20 =	sshrl.u32 s19, $0x1;
	s21 =	sshrl.u32 s10, $0x7;
	s25 =	sshrl.u32 s10, $0x3  }
0xd: {  	s10 =	sadd.s32 $0x100, s10;
	[dreg:$0x7] =	wrdreg s14;
	s6 =	sadd.s32 s7, s6  }
0xe: {  	s7 =	sshrl.u32 s18, $0x2;
	s9 =	sor.u32 $0x1, s21;
	s26 =	sshll.u32 s10, $0x1  }
0xf: {  	s6 =	sshrl.u32 s6, $0x3;
	s7 =	sadd.s32 s7, s2;
	s24 =	sshll.u32 s9, $0x8  }
0x10: {  	s9 =	sshll.u32 s9, $0x4;
	s0 =	sadd.s32 s6, s0;
	s6 =	ssub.s32 s19, s20  }
0x11: {  	[dreg:$0x6] =	wrdreg s7;
	s7 =	sor.u32 s3, s11;
	s11 =	sor.u32 s3, s24  }
0x12: {  	s3 =	sor.u32 s3, s26;
	s9 =	sadd.s32 s8, s9;
	s12 =	sshrl.u32 s7, $0x3  }
0x13: {  	s11 =	sshrl.u32 s11, $0x3;
	[dreg:$0xb] =	wrdreg s9;
	s3 =	sshrl.u32 s3, $0x3  }
0x14: {  	s0 =	sadd.s32 $0x5C600, s0;
	s16 =	smax.u32 s6, $0x1;
	s17 =	sadd.s32 $0x800, s7  }
0x15: {  	s18 =	sadd.s32 $0x700, s7;
	s20 =	sadd.s32 $0x600, s7;
	[dreg:$0xe] =	wrdreg s0  }
0x16: {  	s21 =	sadd.s32 $0x500, s7;
	s22 =	sadd.s32 $0x400, s7;
	[dreg:$0xf] =	wrdreg s16  }
0x17: {  	s6 =	simm.s32 $0x3;
	s23 =	sadd.s32 s1, s12;
	[dreg:$0x12] =	wrdreg s20  }
0x18: {  	s9 =	simm.s32 $0x7;
	s12 =	sadd.s32 s8, s25;
	[dreg:$0x8] =	wrdreg s23  }
0x19: {  	s11 =	sadd.s32 s1, s11;
	s3 =	sadd.s32 s1, s3;
	[dreg:$0x9] =	wrdreg s12  }
0x1a: {  	s0 =	sshrl.u32 s17, $0x3;
	s19 =	sshrl.u32 s18, $0x3;
	[dreg:$0xa] =	wrdreg s11  }
0x1b: {  	s24 =	sshrl.u32 s22, $0x3;
	s11 =	sshrl.u32 s10, $0x3;
	[dreg:$0xc] =	wrdreg s3  }
0x1c: {  	s3 =	sadd.s32 s15, s8;
	s0 =	sadd.s32 s0, s1;
	s23 =	sadd.s32 $0x300, s7  }
0x1d: {  	s7 =	simm.s32 $0x5;
	s10 =	simm.s32 $0x1;
	[dreg:$0x4] =	wrdreg s3  }
0x1e: {  	s12 =	sadd.s32 s8, s11;
	[dreg:$0x10] =	wrdreg s0;
	s0 =	sadd.s32 s19, s1  }
0x1f: {  	s25 =	sshrl.u32 s23, $0x3;
	s23 =	simm.s32 $0x8;
	[dreg:$0xd] =	wrdreg s12  }
0x20: {  	s3 =	simm.s32 $0x6;
	s11 =	simm.s32 $0x2;
	[dreg:$0x11] =	wrdreg s0  }
0x21: {  	s0 =	sshrl.u32 s21, $0x3;
	s26 =	sadd.s32 s25, s1;
	s25 =	simm.s32 $0x300  }
0x22: {  	s12 =	simm.s32 $0x0;
	s0 =	sadd.s32 s0, s1;
	[dreg:$0x15] =	wrdreg s26  }
0x23: {  	s26 =	simm.s32 $0x100;
	[dreg:$0x13] =	wrdreg s0;
	s0 =	sadd.s32 s24, s1  }
0x24: {  	s24 =	simm.s32 $0x80;
	[dreg:$0x14] =	wrdreg s0;
	s0 =	simm.s32 $0x4  }
.LBB2_1:
0x25: {  	s8 =	rddreg [dreg:$0x6]  }
0x26: {  	s22 =	rddreg [dreg:$0x5];
	s13 =	sshrl.u32 s8, $0x3  }
0x27: {  	[spmem:s13], [sflag:s14] =	dma.local [hbm:s22], $0x2780  }
0x28: {  	_ =	swait.ge [sflag:s23], $0x2780  }
0x29: {  	[sflag:s23] =	ssyncset.done $0x0  }
0x2a: {  	[sflag:s23] =	ssyncadd.s32 $0xFFFFD880  }
0x2b: {  	[bflag:$0x0] =	sbarrier.arrive $0xFFFF  }
0x2c: {  	s14 =	rddreg [dreg:$0x8]  }
0x2d: {  	[tilespmem:s4], [sflag:$0x8] =	stream.linear.gather [hbm4b:s14+s4], $0x80, $0x38;
	[tilespmem:$0x1BF00] =	vst v63  }
0x2e: {  	_ =	swait.ge [sflag:s23], $0x80  }
0x2f: {  	[sflag:s23] =	ssyncset.done $0x0  }
0x30: {  	s15 =	rddreg [dreg:$0x9];
	[sflag:s23] =	ssyncadd.s32 $0xFFFFFF80  }
0x31: {  	[tilespmem:s24], [sflag:$0x8] =	stream.linear.gather [hbm4b:s15+s4], $0x80, $0x38;
	[tilespmem:$0x1BF00] =	vst v63  }
0x32: {  	_ =	swait.ge [sflag:s23], $0x80  }
0x33: {  	[sflag:s23] =	ssyncset.done $0x0  }
0x34: {  	[sflag:s23] =	ssyncadd.s32 $0xFFFFFF80  }
0x35: {  	[tilespmem:s25], [sflag:$0x4] =	stream.indirect.gather [hbm4b:s5+s24], $0x80, s4, s24, $0xb8;
	[tilespmem:$0x1BF00] =	vst v63  }
0x36: {  	s16 =	rddreg [dreg:$0xa]  }
0x37: {  	[tilespmem:s26], [sflag:$0x8] =	stream.linear.gather [hbm4b:s16+s4], $0x80, $0x38;
	[tilespmem:$0x1BF00] =	vst v63  }
0x38: {  	_ =	swait.ge [sflag:s23], $0x80  }
0x39: {  	[sflag:s23] =	ssyncset.done $0x0  }
0x3a: {  	s17 =	rddreg [dreg:$0xb];
	[sflag:s23] =	ssyncadd.s32 $0xFFFFFF80  }
0x3b: {  	[tilespmem:s28], [sflag:$0x8] =	stream.linear.gather [hbm4b:s17+s4], $0x80, $0x38;
	[tilespmem:$0x1BF00] =	vst v63  }
0x3c: {  	_ =	swait.ge [sflag:s23], $0x80  }
0x3d: {  	[sflag:s23] =	ssyncset.done $0x0  }
0x3e: {  	s18 =	rddreg [dreg:$0xc];
	[sflag:s23] =	ssyncadd.s32 $0xFFFFFF80  }
0x3f: {  	[tilespmem:s29], [sflag:$0x3] =	stream.linear.gather [hbm4b:s18+s4], $0x80, $0x38;
	[tilespmem:$0x1BF00] =	vst v63  }
0x40: {  	s19 =	rddreg [dreg:$0xd]  }
0x41: {  	[tilespmem:s30], [sflag:$0x3] =	stream.linear.gather [hbm4b:s19+s4], $0x80, $0x38;
	[tilespmem:$0x1BF00] =	vst v63  }
0x42: {  	_ = 	snop  }
0x43: {  	[tilespmem:s31], [sflag:$0x5] =	stream.indirect.gather [hbm4b:s5+s24], $0x80, s26, s24, $0xb8;
	[tilespmem:$0x1BF00] =	vst v63  }
0x44: {  	_ =	swait.ge [sflag:s0], $0x4000  }
0x45: {  	[sflag:s0] =	ssyncset.done $0x0  }
0x46: {  	[sflag:s0] =	ssyncadd.s32 $0xFFFFC000  }
0x47: {  	[spmem:s2] =	stream.indirect.scatter.add.f32 [tilespmem:s25], [sflag:$0x6], $0x80, s24, s24, $0xb8;
	[tilespmem:$0x1BF00] =	vst v63  }
0x48: {  	_ =	swait.ge [sflag:s3], $0x4000  }
0x49: {  	[sflag:s3] =	ssyncset.done $0x0;
	s20 =	rddreg [dreg:$0x4]  }
0x4a: {  	s16 =	rddreg [dreg:$0x15];
	[sflag:s3] =	ssyncadd.s32 $0xFFFFC000;
	s8 =	sadd.s32 $0x0, s20  }
0x4b: {  	[tilespmem:s4], [sflag:$0x1] =	stream.linear.gather [hbm4b:s16+s4], $0x80, $0x38;
	[tilespmem:$0x1BF00] =	vst v63  }
0x4c: {  	s21 =	sadd.s32 $0x30, s8  }
0x4d: {  	[tilespmem:s24], [sflag:$0x1] =	stream.linear.gather [hbm4b:s21+s4], $0x80, $0x38;
	[tilespmem:$0x1BF00] =	vst v63  }
0x4e: {  	_ =	swait.ge [sflag:s6], $0x80  }
0x4f: {  	[sflag:s6] =	ssyncset.done $0x0  }
0x50: {  	[sflag:s6] =	ssyncadd.s32 $0xFFFFFF80  }
0x51: {  	_ =	swait.ge [sflag:s6], $0x80  }
0x52: {  	[sflag:s6] =	ssyncset.done $0x0  }
0x53: {  	[sflag:s6] =	ssyncadd.s32 $0xFFFFFF80  }
0x54: {  	[tilespmem:s25], [sflag:$0x4] =	stream.indirect.gather [hbm4b:s5+s24], $0x80, s29, s24, $0xb8;
	[tilespmem:$0x1BF00] =	vst v63  }
0x55: {  	_ =	swait.ge [sflag:s7], $0x4000  }
0x56: {  	[sflag:s7] =	ssyncset.done $0x0  }
0x57: {  	[sflag:s7] =	ssyncadd.s32 $0xFFFFC000  }
0x58: {  	[spmem:s2] =	stream.indirect.scatter.add.f32 [tilespmem:s31], [sflag:$0x7], $0x80, s28, s24, $0xb8;
	[tilespmem:$0x1BF00] =	vst v63  }
0x59: {  	_ =	swait.ge [sflag:s9], $0x4000  }
0x5a: {  	[sflag:s9] =	ssyncset.done $0x0  }
0x5b: {  	s15 =	rddreg [dreg:$0x14];
	[sflag:s9] =	ssyncadd.s32 $0xFFFFC000  }
0x5c: {  	[tilespmem:s26], [sflag:$0x2] =	stream.linear.gather [hbm4b:s15+s4], $0x80, $0x38;
	[tilespmem:$0x1BF00] =	vst v63  }
0x5d: {  	s22 =	sadd.s32 $0x40, s8  }
0x5e: {  	[tilespmem:s28], [sflag:$0x2] =	stream.linear.gather [hbm4b:s22+s4], $0x80, $0x38;
	[tilespmem:$0x1BF00] =	vst v63  }
0x5f: {  	_ =	swait.ge [sflag:s10], $0x80  }
0x60: {  	[sflag:s10] =	ssyncset.done $0x0  }
0x61: {  	[sflag:s10] =	ssyncadd.s32 $0xFFFFFF80  }
0x62: {  	_ =	swait.ge [sflag:s10], $0x80  }
0x63: {  	[sflag:s10] =	ssyncset.done $0x0  }
0x64: {  	[sflag:s10] =	ssyncadd.s32 $0xFFFFFF80  }
0x65: {  	[tilespmem:s31], [sflag:$0x5] =	stream.indirect.gather [hbm4b:s5+s24], $0x80, s4, s24, $0xb8;
	[tilespmem:$0x1BF00] =	vst v63  }
0x66: {  	_ =	swait.ge [sflag:s0], $0x4000  }
0x67: {  	[sflag:s0] =	ssyncset.done $0x0  }
0x68: {  	[sflag:s0] =	ssyncadd.s32 $0xFFFFC000  }
0x69: {  	[spmem:s2] =	stream.indirect.scatter.add.f32 [tilespmem:s25], [sflag:$0x6], $0x80, s30, s24, $0xb8;
	[tilespmem:$0x1BF00] =	vst v63  }
0x6a: {  	_ =	swait.ge [sflag:s3], $0x4000  }
0x6b: {  	[sflag:s3] =	ssyncset.done $0x0  }
0x6c: {  	s20 =	rddreg [dreg:$0x13];
	[sflag:s3] =	ssyncadd.s32 $0xFFFFC000  }
0x6d: {  	[tilespmem:s29], [sflag:$0x3] =	stream.linear.gather [hbm4b:s20+s4], $0x80, $0x38;
	[tilespmem:$0x1BF00] =	vst v63  }
0x6e: {  	s17 =	sadd.s32 $0x50, s8  }
0x6f: {  	[tilespmem:s30], [sflag:$0x3] =	stream.linear.gather [hbm4b:s17+s4], $0x80, $0x38;
	[tilespmem:$0x1BF00] =	vst v63  }
0x70: {  	_ =	swait.ge [sflag:s11], $0x80  }
0x71: {  	[sflag:s11] =	ssyncset.done $0x0  }
0x72: {  	[sflag:s11] =	ssyncadd.s32 $0xFFFFFF80  }
0x73: {  	_ =	swait.ge [sflag:s11], $0x80  }
0x74: {  	[sflag:s11] =	ssyncset.done $0x0  }
0x75: {  	[sflag:s11] =	ssyncadd.s32 $0xFFFFFF80  }
0x76: {  	[tilespmem:s25], [sflag:$0x4] =	stream.indirect.gather [hbm4b:s5+s24], $0x80, s26, s24, $0xb8;
	[tilespmem:$0x1BF00] =	vst v63  }
0x77: {  	_ =	swait.ge [sflag:s7], $0x4000  }
0x78: {  	[sflag:s7] =	ssyncset.done $0x0  }
0x79: {  	[sflag:s7] =	ssyncadd.s32 $0xFFFFC000  }
0x7a: {  	[spmem:s2] =	stream.indirect.scatter.add.f32 [tilespmem:s31], [sflag:$0x7], $0x80, s24, s24, $0xb8;
	[tilespmem:$0x1BF00] =	vst v63  }
0x7b: {  	_ =	swait.ge [sflag:s9], $0x4000  }
0x7c: {  	s19 =	rddreg [dreg:$0x12]  }
0x7d: {  	[sflag:s9] =	ssyncset.done $0x0;
	s18 =	sshrl.u32 s19, $0x3  }
0x7e: {  	[sflag:s9] =	ssyncadd.s32 $0xFFFFC000;
	s14 =	sadd.s32 s1, s18  }
0x7f: {  	[tilespmem:s4], [sflag:$0x1] =	stream.linear.gather [hbm4b:s14+s4], $0x80, $0x38;
	[tilespmem:$0x1BF00] =	vst v63  }
0x80: {  	s21 =	sadd.s32 $0x60, s8  }
0x81: {  	[tilespmem:s24], [sflag:$0x1] =	stream.linear.gather [hbm4b:s21+s4], $0x80, $0x38;
	[tilespmem:$0x1BF00] =	vst v63  }
0x82: {  	_ =	swait.ge [sflag:s6], $0x80  }
0x83: {  	[sflag:s6] =	ssyncset.done $0x0  }
0x84: {  	[sflag:s6] =	ssyncadd.s32 $0xFFFFFF80  }
0x85: {  	_ =	swait.ge [sflag:s6], $0x80  }
0x86: {  	[sflag:s6] =	ssyncset.done $0x0  }
0x87: {  	[sflag:s6] =	ssyncadd.s32 $0xFFFFFF80  }
0x88: {  	[tilespmem:s31], [sflag:$0x5] =	stream.indirect.gather [hbm4b:s5+s24], $0x80, s29, s24, $0xb8;
	[tilespmem:$0x1BF00] =	vst v63  }
0x89: {  	_ =	swait.ge [sflag:s0], $0x4000  }
0x8a: {  	[sflag:s0] =	ssyncset.done $0x0  }
0x8b: {  	[sflag:s0] =	ssyncadd.s32 $0xFFFFC000  }
0x8c: {  	[spmem:s2] =	stream.indirect.scatter.add.f32 [tilespmem:s25], [sflag:$0x6], $0x80, s28, s24, $0xb8;
	[tilespmem:$0x1BF00] =	vst v63  }
0x8d: {  	_ =	swait.ge [sflag:s3], $0x4000  }
0x8e: {  	[sflag:s3] =	ssyncset.done $0x0  }
0x8f: {  	s18 =	rddreg [dreg:$0x11];
	[sflag:s3] =	ssyncadd.s32 $0xFFFFC000  }
0x90: {  	[tilespmem:s26], [sflag:$0x2] =	stream.linear.gather [hbm4b:s18+s4], $0x80, $0x38;
	[tilespmem:$0x1BF00] =	vst v63  }
0x91: {  	s22 =	sadd.s32 $0x70, s8  }
0x92: {  	[tilespmem:s28], [sflag:$0x2] =	stream.linear.gather [hbm4b:s22+s4], $0x80, $0x38;
	[tilespmem:$0x1BF00] =	vst v63  }
0x93: {  	_ =	swait.ge [sflag:s10], $0x80  }
0x94: {  	[sflag:s10] =	ssyncset.done $0x0  }
0x95: {  	[sflag:s10] =	ssyncadd.s32 $0xFFFFFF80  }
0x96: {  	_ =	swait.ge [sflag:s10], $0x80  }
0x97: {  	[sflag:s10] =	ssyncset.done $0x0  }
0x98: {  	[sflag:s10] =	ssyncadd.s32 $0xFFFFFF80  }
0x99: {  	[tilespmem:s25], [sflag:$0x4] =	stream.indirect.gather [hbm4b:s5+s24], $0x80, s4, s24, $0xb8;
	[tilespmem:$0x1BF00] =	vst v63  }
0x9a: {  	_ =	swait.ge [sflag:s7], $0x4000  }
0x9b: {  	[sflag:s7] =	ssyncset.done $0x0  }
0x9c: {  	[sflag:s7] =	ssyncadd.s32 $0xFFFFC000  }
0x9d: {  	[spmem:s2] =	stream.indirect.scatter.add.f32 [tilespmem:s31], [sflag:$0x7], $0x80, s30, s24, $0xb8;
	[tilespmem:$0x1BF00] =	vst v63  }
0x9e: {  	_ =	swait.ge [sflag:s9], $0x4000  }
0x9f: {  	[sflag:s9] =	ssyncset.done $0x0  }
0xa0: {  	s17 =	rddreg [dreg:$0x10];
	[sflag:s9] =	ssyncadd.s32 $0xFFFFC000  }
0xa1: {  	[tilespmem:s29], [sflag:$0x3] =	stream.linear.gather [hbm4b:s17+s4], $0x80, $0x38;
	[tilespmem:$0x1BF00] =	vst v63  }
0xa2: {  	s8 =	sadd.s32 $0x80, s8  }
0xa3: {  	[tilespmem:s30], [sflag:$0x3] =	stream.linear.gather [hbm4b:s8+s4], $0x80, $0x38;
	[tilespmem:$0x1BF00] =	vst v63  }
0xa4: {  	_ =	swait.ge [sflag:s11], $0x80  }
0xa5: {  	[sflag:s11] =	ssyncset.done $0x0  }
0xa6: {  	[sflag:s11] =	ssyncadd.s32 $0xFFFFFF80  }
0xa7: {  	_ =	swait.ge [sflag:s11], $0x80  }
0xa8: {  	[sflag:s11] =	ssyncset.done $0x0  }
0xa9: {  	s16 =	sadd.s32 $0xC0, s16;
	[sflag:s11] =	ssyncadd.s32 $0xFFFFFF80  }
0xaa: {  	[tilespmem:s31], [sflag:$0x5] =	stream.indirect.gather [hbm4b:s5+s24], $0x80, s26, s24, $0xb8;
	[tilespmem:$0x1BF00] =	vst v63  }
0xab: {  	s15 =	sadd.s32 $0xC0, s15;
	s14 =	simm.s32 $0x60;
	_ =	swait.ge [sflag:s0], $0x4000  }
0xac: {  	s8 =	sadd.s32 $0x600, s19;
	s19 =	sadd.s32 $0xC0, s20;
	[sflag:s0] =	ssyncset.done $0x0  }
.LBB2_2:
0xad: {  	[sflag:s0] =	ssyncadd.s32 $0xFFFFC000  }
0xae: {  	[spmem:s2] =	stream.indirect.scatter.add.f32 [tilespmem:s25], [sflag:$0x6], $0x80, s24, s24, $0xb8;
	[tilespmem:$0x1BF00] =	vst v63  }
0xaf: {  	_ =	swait.ge [sflag:s3], $0x4000  }
0xb0: {  	s20 =	smov.u32 s14;
	[sflag:s3] =	ssyncset.done $0x0;
	s21 =	rddreg [dreg:$0x4]  }
0xb1: {  	[sflag:s3] =	ssyncadd.s32 $0xFFFFC000;
	s20 =	sadd.s32 s20, s21  }
0xb2: {  	[tilespmem:s4], [sflag:$0x1] =	stream.linear.gather [hbm4b:s16+s4], $0x80, $0x38;
	[tilespmem:$0x1BF00] =	vst v63  }
0xb3: {  	s21 =	sadd.s32 $0x30, s20  }
0xb4: {  	[tilespmem:s24], [sflag:$0x1] =	stream.linear.gather [hbm4b:s21+s4], $0x80, $0x38;
	[tilespmem:$0x1BF00] =	vst v63  }
0xb5: {  	_ =	swait.ge [sflag:s6], $0x80  }
0xb6: {  	[sflag:s6] =	ssyncset.done $0x0  }
0xb7: {  	[sflag:s6] =	ssyncadd.s32 $0xFFFFFF80  }
0xb8: {  	_ =	swait.ge [sflag:s6], $0x80  }
0xb9: {  	[sflag:s6] =	ssyncset.done $0x0  }
0xba: {  	[sflag:s6] =	ssyncadd.s32 $0xFFFFFF80  }
0xbb: {  	[tilespmem:s25], [sflag:$0x4] =	stream.indirect.gather [hbm4b:s5+s24], $0x80, s29, s24, $0xb8;
	[tilespmem:$0x1BF00] =	vst v63  }
0xbc: {  	_ =	swait.ge [sflag:s7], $0x4000  }
0xbd: {  	[sflag:s7] =	ssyncset.done $0x0  }
0xbe: {  	[sflag:s7] =	ssyncadd.s32 $0xFFFFC000  }
0xbf: {  	[spmem:s2] =	stream.indirect.scatter.add.f32 [tilespmem:s31], [sflag:$0x7], $0x80, s28, s24, $0xb8;
	[tilespmem:$0x1BF00] =	vst v63  }
0xc0: {  	_ =	swait.ge [sflag:s9], $0x4000  }
0xc1: {  	[sflag:s9] =	ssyncset.done $0x0  }
0xc2: {  	[sflag:s9] =	ssyncadd.s32 $0xFFFFC000  }
0xc3: {  	[tilespmem:s26], [sflag:$0x2] =	stream.linear.gather [hbm4b:s15+s4], $0x80, $0x38;
	[tilespmem:$0x1BF00] =	vst v63  }
0xc4: {  	s22 =	sadd.s32 $0x40, s20  }
0xc5: {  	[tilespmem:s28], [sflag:$0x2] =	stream.linear.gather [hbm4b:s22+s4], $0x80, $0x38;
	[tilespmem:$0x1BF00] =	vst v63  }
0xc6: {  	_ =	swait.ge [sflag:s10], $0x80  }
0xc7: {  	[sflag:s10] =	ssyncset.done $0x0  }
0xc8: {  	[sflag:s10] =	ssyncadd.s32 $0xFFFFFF80  }
0xc9: {  	_ =	swait.ge [sflag:s10], $0x80  }
0xca: {  	[sflag:s10] =	ssyncset.done $0x0  }
0xcb: {  	[sflag:s10] =	ssyncadd.s32 $0xFFFFFF80  }
0xcc: {  	[tilespmem:s31], [sflag:$0x5] =	stream.indirect.gather [hbm4b:s5+s24], $0x80, s4, s24, $0xb8;
	[tilespmem:$0x1BF00] =	vst v63  }
0xcd: {  	_ =	swait.ge [sflag:s0], $0x4000  }
0xce: {  	[sflag:s0] =	ssyncset.done $0x0  }
0xcf: {  	[sflag:s0] =	ssyncadd.s32 $0xFFFFC000  }
0xd0: {  	[spmem:s2] =	stream.indirect.scatter.add.f32 [tilespmem:s25], [sflag:$0x6], $0x80, s30, s24, $0xb8;
	[tilespmem:$0x1BF00] =	vst v63  }
0xd1: {  	_ =	swait.ge [sflag:s3], $0x4000  }
0xd2: {  	[sflag:s3] =	ssyncset.done $0x0  }
0xd3: {  	[sflag:s3] =	ssyncadd.s32 $0xFFFFC000  }
0xd4: {  	[tilespmem:s29], [sflag:$0x3] =	stream.linear.gather [hbm4b:s19+s4], $0x80, $0x38;
	[tilespmem:$0x1BF00] =	vst v63  }
0xd5: {  	s22 =	sadd.s32 $0x50, s20  }
0xd6: {  	[tilespmem:s30], [sflag:$0x3] =	stream.linear.gather [hbm4b:s22+s4], $0x80, $0x38;
	[tilespmem:$0x1BF00] =	vst v63  }
0xd7: {  	_ =	swait.ge [sflag:s11], $0x80  }
0xd8: {  	[sflag:s11] =	ssyncset.done $0x0  }
0xd9: {  	[sflag:s11] =	ssyncadd.s32 $0xFFFFFF80  }
0xda: {  	_ =	swait.ge [sflag:s11], $0x80  }
0xdb: {  	[sflag:s11] =	ssyncset.done $0x0  }
0xdc: {  	[sflag:s11] =	ssyncadd.s32 $0xFFFFFF80  }
0xdd: {  	[tilespmem:s25], [sflag:$0x4] =	stream.indirect.gather [hbm4b:s5+s24], $0x80, s26, s24, $0xb8;
	[tilespmem:$0x1BF00] =	vst v63  }
0xde: {  	_ =	swait.ge [sflag:s7], $0x4000  }
0xdf: {  	[sflag:s7] =	ssyncset.done $0x0  }
0xe0: {  	[sflag:s7] =	ssyncadd.s32 $0xFFFFC000  }
0xe1: {  	[spmem:s2] =	stream.indirect.scatter.add.f32 [tilespmem:s31], [sflag:$0x7], $0x80, s24, s24, $0xb8;
	[tilespmem:$0x1BF00] =	vst v63  }
0xe2: {  	_ =	swait.ge [sflag:s9], $0x4000  }
0xe3: {  	s22 =	sshrl.u32 s8, $0x3;
	[sflag:s9] =	ssyncset.done $0x0  }
0xe4: {  	s21 =	sadd.s32 s1, s22;
	[sflag:s9] =	ssyncadd.s32 $0xFFFFC000  }
0xe5: {  	[tilespmem:s4], [sflag:$0x1] =	stream.linear.gather [hbm4b:s21+s4], $0x80, $0x38;
	[tilespmem:$0x1BF00] =	vst v63  }
0xe6: {  	s22 =	sadd.s32 $0x60, s20  }
0xe7: {  	[tilespmem:s24], [sflag:$0x1] =	stream.linear.gather [hbm4b:s22+s4], $0x80, $0x38;
	[tilespmem:$0x1BF00] =	vst v63  }
0xe8: {  	_ =	swait.ge [sflag:s6], $0x80  }
0xe9: {  	[sflag:s6] =	ssyncset.done $0x0  }
0xea: {  	[sflag:s6] =	ssyncadd.s32 $0xFFFFFF80  }
0xeb: {  	_ =	swait.ge [sflag:s6], $0x80  }
0xec: {  	[sflag:s6] =	ssyncset.done $0x0  }
0xed: {  	[sflag:s6] =	ssyncadd.s32 $0xFFFFFF80  }
0xee: {  	[tilespmem:s31], [sflag:$0x5] =	stream.indirect.gather [hbm4b:s5+s24], $0x80, s29, s24, $0xb8;
	[tilespmem:$0x1BF00] =	vst v63  }
0xef: {  	_ =	swait.ge [sflag:s0], $0x4000  }
0xf0: {  	[sflag:s0] =	ssyncset.done $0x0  }
0xf1: {  	[sflag:s0] =	ssyncadd.s32 $0xFFFFC000  }
0xf2: {  	[spmem:s2] =	stream.indirect.scatter.add.f32 [tilespmem:s25], [sflag:$0x6], $0x80, s28, s24, $0xb8;
	[tilespmem:$0x1BF00] =	vst v63  }
0xf3: {  	_ =	swait.ge [sflag:s3], $0x4000  }
0xf4: {  	[sflag:s3] =	ssyncset.done $0x0  }
0xf5: {  	s18 =	sadd.s32 $0xC0, s18;
	[sflag:s3] =	ssyncadd.s32 $0xFFFFC000  }
0xf6: {  	[tilespmem:s26], [sflag:$0x2] =	stream.linear.gather [hbm4b:s18+s4], $0x80, $0x38;
	[tilespmem:$0x1BF00] =	vst v63  }
0xf7: {  	s22 =	sadd.s32 $0x70, s20  }
0xf8: {  	[tilespmem:s28], [sflag:$0x2] =	stream.linear.gather [hbm4b:s22+s4], $0x80, $0x38;
	[tilespmem:$0x1BF00] =	vst v63  }
0xf9: {  	_ =	swait.ge [sflag:s10], $0x80  }
0xfa: {  	[sflag:s10] =	ssyncset.done $0x0  }
0xfb: {  	[sflag:s10] =	ssyncadd.s32 $0xFFFFFF80  }
0xfc: {  	_ =	swait.ge [sflag:s10], $0x80  }
0xfd: {  	[sflag:s10] =	ssyncset.done $0x0  }
0xfe: {  	[sflag:s10] =	ssyncadd.s32 $0xFFFFFF80  }
0xff: {  	[tilespmem:s25], [sflag:$0x4] =	stream.indirect.gather [hbm4b:s5+s24], $0x80, s4, s24, $0xb8;
	[tilespmem:$0x1BF00] =	vst v63  }
0x100: {  	_ =	swait.ge [sflag:s7], $0x4000  }
0x101: {  	[sflag:s7] =	ssyncset.done $0x0  }
0x102: {  	[sflag:s7] =	ssyncadd.s32 $0xFFFFC000  }
0x103: {  	[spmem:s2] =	stream.indirect.scatter.add.f32 [tilespmem:s31], [sflag:$0x7], $0x80, s30, s24, $0xb8;
	[tilespmem:$0x1BF00] =	vst v63  }
0x104: {  	_ =	swait.ge [sflag:s9], $0x4000  }
0x105: {  	[sflag:s9] =	ssyncset.done $0x0  }
0x106: {  	s17 =	sadd.s32 $0xC0, s17;
	[sflag:s9] =	ssyncadd.s32 $0xFFFFC000  }
0x107: {  	[tilespmem:s29], [sflag:$0x3] =	stream.linear.gather [hbm4b:s17+s4], $0x80, $0x38;
	[tilespmem:$0x1BF00] =	vst v63  }
0x108: {  	s20 =	sadd.s32 $0x80, s20  }
0x109: {  	[tilespmem:s30], [sflag:$0x3] =	stream.linear.gather [hbm4b:s20+s4], $0x80, $0x38;
	[tilespmem:$0x1BF00] =	vst v63  }
0x10a: {  	_ =	swait.ge [sflag:s11], $0x80  }
0x10b: {  	[sflag:s11] =	ssyncset.done $0x0  }
0x10c: {  	[sflag:s11] =	ssyncadd.s32 $0xFFFFFF80  }
0x10d: {  	p0 =	sne.s32 s14, $0x960;
	_ =	swait.ge [sflag:s11], $0x80  }
.Ltmp0:
0x10e: {  	[sflag:s11] =	ssyncset.done $0x0;
	(pc) =	sbr.rel @p0 .LBB2_2-.Ltmp0, $4  }
0x10f: {  	s14 =	sadd.s32 $0x60, s14;
	[sflag:s11] =	ssyncadd.s32 $0xFFFFFF80  }
0x110: {  	[tilespmem:s31], [sflag:$0x5] =	stream.indirect.gather [hbm4b:s5+s24], $0x80, s26, s24, $0xb8;
	[tilespmem:$0x1BF00] =	vst v63  }
0x111: {  	s16 =	sadd.s32 $0xC0, s16;
	s15 =	sadd.s32 $0xC0, s15;
	_ =	swait.ge [sflag:s0], $0x4000  }
0x112: {  	s19 =	sadd.s32 $0xC0, s19;
	s8 =	sadd.s32 $0x600, s8;
	[sflag:s0] =	ssyncset.done $0x0  }
0x113: {  	[sflag:s0] =	ssyncadd.s32 $0xFFFFC000  }
0x114: {  	[spmem:s2] =	stream.indirect.scatter.add.f32 [tilespmem:s25], [sflag:$0x6], $0x80, s24, s24, $0xb8;
	[tilespmem:$0x1BF00] =	vst v63  }
0x115: {  	_ =	swait.ge [sflag:s6], $0x80  }
0x116: {  	[sflag:s6] =	ssyncset.done $0x0  }
0x117: {  	[sflag:s6] =	ssyncadd.s32 $0xFFFFFF80  }
0x118: {  	_ =	swait.ge [sflag:s6], $0x80  }
0x119: {  	[sflag:s6] =	ssyncset.done $0x0  }
0x11a: {  	[sflag:s6] =	ssyncadd.s32 $0xFFFFFF80  }
0x11b: {  	_ =	swait.ge [sflag:s7], $0x4000  }
0x11c: {  	[sflag:s7] =	ssyncset.done $0x0  }
0x11d: {  	[sflag:s7] =	ssyncadd.s32 $0xFFFFC000  }
0x11e: {  	[spmem:s2] =	stream.indirect.scatter.add.f32 [tilespmem:s31], [sflag:$0x7], $0x80, s28, s24, $0xb8;
	[tilespmem:$0x1BF00] =	vst v63  }
0x11f: {  	_ =	swait.ge [sflag:s3], $0x4000  }
0x120: {  	[sflag:s3] =	ssyncset.done $0x0  }
0x121: {  	[sflag:s3] =	ssyncadd.s32 $0xFFFFC000  }
0x122: {  	_ =	swait.ge [sflag:s9], $0x4000  }
0x123: {  	[sflag:s9] =	ssyncset.done $0x0  }
0x124: {  	[sflag:s9] =	ssyncadd.s32 $0xFFFFC000  }
0x125: {  	[bflag:$0x0] =	sbarrier.arrive $0xFFFF  }
0x126: {  	s14 =	rddreg [dreg:$0x7]  }
0x127: {  	s8 =	rddreg [dreg:$0xe]  }
0x128: {  	[hbm:s8], [sflag:s14] =	dma.local [spmem:s13], $0x2780  }
0x129: {  	_ =	swait.ge [sflag:s23], $0x2780  }
0x12a: {  	s12 =	sadd.s32 $0x1, s12;
	s22 =	rddreg [dreg:$0xf]  }
0x12b: {  	p0 =	sne.s32 s12, s22  }
.Ltmp1:
0x12c: {  	_ = 	snop;
	(pc) =	sbr.rel @p0 .LBB2_1-.Ltmp1, $3  }
0x12d: {  	_ =	sdelay $0x1  }
0x12e: {  	[sflag:s23] =	ssyncset.done $0x0  }
0x12f: {  	[sflag:s23] =	ssyncadd.s32 $0xFFFFD880  }
0x130: {  	_ =	sfence.sel $0x180000  }
0x131: {  	[bflag:$0x0] =	sbarrier.arrive $0xFFFF  }
0x132: {  	_ =	strace $0x90000047  }
0x133: {  	s0 =	stileid.u32;
	[bflag:$0x2] =	sbarrier.arrive $0xFFFF  }
0x134: {  	p0 =	sne.s32 s0, $0x0;
	s0 =	rddreg [dreg:$0x3]  }
0x135: {  	s0 =	sadd.s32 @!p0 $0x100000, s0  }
0x136: {  	[sflag:s0] =	ssyncadd.tile.s32 @!p0 $0x1;
	_ =	shalt  }
.Lfunc_end2:
_tile_overlayer_lowered:
.L_overlay_start_2:
0x137: {  	(tag) =	ssettag $0x2  }
0x138: {  	s0 =	rddreg [dreg:$0x0];
	s2 =	stileid.u32  }
0x139: {  	s1 =	rddreg [dreg:$0x1];
	p0 =	sne.s32 s2, $0x0  }
0x13a: {  	s3 =	rddreg [dreg:$0x2];
	[bflag:$0x3] =	sbarrier.arrive $0xFFFF;
	s2 =	simm.s32 @!p0 $0x1C08  }
0x13b: {  	[timem:s3], [sflag:s2] =	dma.local @!p0 [hbm:s0], s1  }
0x13c: {  	s0 =	simm.s32 @!p0 $0x8  }
0x13d: {  	_ =	swait.ge @!p0 [sflag:s0], s1  }
0x13e: {  	s1 =	ssub.s32 @!p0 $0x0, s1;
	[sflag:s0] =	ssyncset.done @!p0 $0x0  }
0x13f: {  	[sflag:s0] =	ssyncadd.s32 @!p0 s1  }
0x140: {  	[bflag:$0x3] =	sbarrier.arrive $0xFFFF  }
0x141: {  	_ =	shalt  }

</sc_bundles>
